<compile_context>
chip_gen: v7x
topology: tpu7x:2x2x1
jax: 0.10.2.dev20260603
libtpu: 0.0.44.dev20260713+nightly
codegen_flags: <defaults>
</compile_context>

<pallas_src>
import functools

import jax
import jax.numpy as jnp
from jax import lax
from jax.experimental import pallas as pl
from jax.experimental.pallas import tpu as pltpu
from jax.experimental.pallas import tpu_sc as plsc

F32 = jnp.float32
BF16 = jnp.bfloat16

N = 10000
E = 320000
D = 128
H = 128
DE = 16

NHALF = 1
E2 = E // NHALF
NW = 32

GCH = 80
NSLOT = 3
SCH = 40
SSLOT = 2

BN = 1000
BE = 2000
NPT = 624
NTAIL = N - 16 * NPT

_LINEAR = pltpu.CompilerParams(use_tc_tiling_on_sc=False)
_MESH = dict(core_axis_name="c", subcore_axis_name="s")


def _silu(x):
    return x / (1.0 + jnp.exp(-x))


def _pack2(lo_bf16, hi_bf16):
    lo = lax.bitcast_convert_type(lo_bf16, jnp.uint16).astype(jnp.uint32)
    hi = lax.bitcast_convert_type(hi_bf16, jnp.uint16).astype(jnp.uint32)
    return lax.bitcast_convert_type(lo | (hi << 16), F32)


def _unpack_lo(x):
    u = lax.bitcast_convert_type(x, jnp.uint32)
    return lax.bitcast_convert_type(
        (u & 0xFFFF).astype(jnp.uint16), BF16).astype(F32)


def _unpack_hi(x):
    u = lax.bitcast_convert_type(x, jnp.uint32)
    return lax.bitcast_convert_type(
        (u >> 16).astype(jnp.uint16), BF16).astype(F32)


def _prep_body(h_ref, cp_ref, wa_ref, wb_ref, ta_ref, tb_ref):
    hh = h_ref[...].astype(BF16)
    cpb = cp_ref[...]
    ta_ref[...] = _pack2(
        jnp.dot(hh, wa_ref[...], preferred_element_type=F32).astype(BF16), cpb)
    tb_ref[...] = _pack2(
        jnp.dot(hh, wb_ref[...], preferred_element_type=F32).astype(BF16), cpb)


def _prep(h, cp128, wa, wb):
    return pl.pallas_call(
        _prep_body,
        grid=(N // BN,),
        in_specs=[
            pl.BlockSpec((BN, D), lambda i: (i, 0)),
            pl.BlockSpec((BN, 128), lambda i: (i, 0)),
            pl.BlockSpec((D, H), lambda i: (0, 0)),
            pl.BlockSpec((D, H), lambda i: (0, 0)),
        ],
        out_specs=[
            pl.BlockSpec((BN, 128), lambda i: (i, 0)),
            pl.BlockSpec((BN, 128), lambda i: (i, 0)),
        ],
        out_shape=[
            jax.ShapeDtypeStruct((N, 128), F32),
            jax.ShapeDtypeStruct((N, 128), F32),
        ],
    )(h, cp128.astype(BF16), wa.astype(BF16), wb.astype(BF16))


def _make_gather(e_tot):
    epw = e_tot // NW
    giters = epw // GCH
    outer_n = giters // NSLOT
    grem = giters % NSLOT

    @functools.partial(
        pl.kernel,
        mesh=plsc.VectorSubcoreMesh(**_MESH),
        out_type=[
            jax.ShapeDtypeStruct((e_tot, 128), F32),
            jax.ShapeDtypeStruct((e_tot, 128), F32),
        ],
        scratch_types=(
            [pltpu.VMEM((epw,), jnp.int32)] * 2 +
            [pltpu.VMEM((GCH, 128), F32)] * (2 * NSLOT) +
            [pltpu.SemaphoreType.DMA] * (4 * NSLOT)
        ),
    )
    def gather_k(rowi, coli, ta, tb, outa, outb, idxr, idxc, *rest):
        bufa = rest[0:NSLOT]
        bufb = rest[NSLOT:2 * NSLOT]
        gsa = rest[2 * NSLOT:3 * NSLOT]
        gsb = rest[3 * NSLOT:4 * NSLOT]
        wsa = rest[4 * NSLOT:5 * NSLOT]
        wsb = rest[5 * NSLOT:6 * NSLOT]
        wid = lax.axis_index("s") * 2 + lax.axis_index("c")
        base = wid * epw
        pltpu.sync_copy(rowi.at[pl.ds(base, epw)], idxr)
        pltpu.sync_copy(coli.at[pl.ds(base, epw)], idxc)

        def fire(s, c):
            pltpu.async_copy(ta.at[idxr.at[pl.ds(c * GCH, GCH)]], bufa[s], gsa[s])
            pltpu.async_copy(tb.at[idxc.at[pl.ds(c * GCH, GCH)]], bufb[s], gsb[s])

        for s in range(NSLOT):
            fire(s, s)

        def outer(k, carry):
            c0 = k * NSLOT
            for s in range(NSLOT):
                c = c0 + s
                pltpu.make_async_copy(
                    ta.at[idxr.at[pl.ds(c * GCH, GCH)]], bufa[s], gsa[s]).wait()
                pltpu.make_async_copy(
                    tb.at[idxc.at[pl.ds(c * GCH, GCH)]], bufb[s], gsb[s]).wait()
                pltpu.async_copy(bufa[s], outa.at[pl.ds(base + c * GCH, GCH)], wsa[s])
                pltpu.async_copy(bufb[s], outb.at[pl.ds(base + c * GCH, GCH)], wsb[s])
            for s in range(NSLOT):
                c2 = c0 + NSLOT + s

                @pl.when(c2 < giters)
                def _():
                    pltpu.make_async_copy(
                        bufa[s], outa.at[pl.ds(base + (c2 - NSLOT) * GCH, GCH)],
                        wsa[s]).wait()
                    pltpu.make_async_copy(
                        bufb[s], outb.at[pl.ds(base + (c2 - NSLOT) * GCH, GCH)],
                        wsb[s]).wait()
                    fire(s, c2)
            return carry

        lax.fori_loop(0, outer_n, outer, 0)
        for s in range(grem):
            c = outer_n * NSLOT + s
            pltpu.make_async_copy(
                ta.at[idxr.at[pl.ds(c * GCH, GCH)]], bufa[s], gsa[s]).wait()
            pltpu.make_async_copy(
                tb.at[idxc.at[pl.ds(c * GCH, GCH)]], bufb[s], gsb[s]).wait()
            pltpu.async_copy(bufa[s], outa.at[pl.ds(base + c * GCH, GCH)], wsa[s])
            pltpu.async_copy(bufb[s], outb.at[pl.ds(base + c * GCH, GCH)], wsb[s])
        for s in range(NSLOT):
            pltpu.make_async_copy(
                bufa[s], outa.at[pl.ds(base, GCH)], wsa[s]).wait()
            pltpu.make_async_copy(
                bufb[s], outb.at[pl.ds(base, GCH)], wsb[s]).wait()

    return gather_k


_gather2 = _make_gather(E2)


def _edge_body(ga_ref, gb_ref, ea_ref, w1c_ref, b1_ref, wr_ref,
               w2_ref, b2_ref, wc1_ref, bc1_ref, wc2_ref, sel_ref, f_ref, t_ref):
    ga = ga_ref[...]
    gb = gb_ref[...]
    dc = _unpack_hi(ga) - _unpack_hi(gb)
    radial = jnp.sum(dc * dc, axis=1, keepdims=True)
    pre = (_unpack_lo(ga) + _unpack_lo(gb) +
           radial * wr_ref[...] +
           jnp.dot(ea_ref[...], w1c_ref[...], preferred_element_type=F32) +
           b1_ref[...])
    m = _silu(pre).astype(BF16)
    f = _silu(jnp.dot(m, w2_ref[...], preferred_element_type=F32) + b2_ref[...])
    fb = f.astype(BF16)
    g1 = _silu(jnp.dot(fb, wc1_ref[...], preferred_element_type=F32) + bc1_ref[...])
    gate = jnp.sum(g1 * wc2_ref[...], axis=1, keepdims=True)
    lane = lax.broadcasted_iota(jnp.int32, (1, 16), 1)
    cnt = jnp.where(lane == 3, 1.0, 0.0).astype(F32)
    f_ref[...] = f
    t_ref[...] = jnp.dot(dc * gate, sel_ref[...],
                         preferred_element_type=F32) + cnt


def _edge(ga, gb, ea, w1c, b1, wr, w2, b2, wc1, bc1, wc2, sel):
    full = lambda r, c: pl.BlockSpec((r, c), lambda i: (0, 0))
    gsp = pl.BlockSpec((BE, 128), lambda i: (i, 0))
    return pl.pallas_call(
        _edge_body,
        grid=(E2 // BE,),
        in_specs=[
            gsp, gsp,
            pl.BlockSpec((BE, DE), lambda i: (i, 0)),
            full(DE, H), full(1, H), full(1, H),
            full(H, H), full(1, H),
            full(H, H), full(1, H), full(1, H),
            full(H, 16),
        ],
        out_specs=[
            pl.BlockSpec((BE, H), lambda i: (i, 0)),
            pl.BlockSpec((BE, 16), lambda i: (i, 0)),
        ],
        out_shape=[
            jax.ShapeDtypeStruct((E2, H), F32),
            jax.ShapeDtypeStruct((E2, 16), F32),
        ],
    )(ga, gb, ea, w1c, b1, wr, w2, b2, wc1, bc1, wc2, sel)


def _make_scatter(width, params, e_tot):
    epw = e_tot // NW
    sit = epw // SCH
    ngrp = sit // SSLOT
    rem = sit % SSLOT

    @functools.partial(
        pl.kernel,
        mesh=plsc.VectorSubcoreMesh(**_MESH),
        out_type=[jax.ShapeDtypeStruct((2, N, width), F32)],
        scratch_types=(
            [pltpu.VMEM((sit, SCH), jnp.int32)] +
            [pltpu.VMEM((SCH, width), F32)] * SSLOT +
            [pltpu.SemaphoreType.DMA] * (2 * SSLOT) +
            [pltpu.VMEM_SHARED((N, width), F32)]
        ),
        compiler_params=params,
    )
    def scatter_k(rowi3, ft, zz, parts, idx2, *rest):
        buf = rest[0:SSLOT]
        lsem = rest[SSLOT:2 * SSLOT]
        ssem = rest[2 * SSLOT:3 * SSLOT]
        shared = rest[3 * SSLOT]
        cid = lax.axis_index("c")
        sid = lax.axis_index("s")
        wid = sid * 2 + cid
        base = wid * epw
        pltpu.sync_copy(rowi3.at[wid], idx2)
        pltpu.sync_copy(zz.at[pl.ds(sid * NPT, NPT)],
                        shared.at[pl.ds(sid * NPT, NPT)])

        @pl.when(sid == 15)
        def _():
            pltpu.sync_copy(zz.at[pl.ds(16 * NPT, NTAIL)],
                            shared.at[pl.ds(16 * NPT, NTAIL)])

        plsc.subcore_barrier()

        def fire_load(s, c):
            pltpu.async_copy(ft.at[pl.ds(base + c * SCH, SCH)], buf[s], lsem[s])

        for s in range(SSLOT):
            fire_load(s, s)

        def outer(k, carry):
            c0 = k * SSLOT
            for s in range(SSLOT):
                c = c0 + s
                pltpu.make_async_copy(
                    ft.at[pl.ds(base + c * SCH, SCH)], buf[s], lsem[s]).wait()
                pltpu.async_copy(buf[s], shared.at[idx2.at[c]], ssem[s],
                                 add=True)
            for s in range(SSLOT):
                c2 = c0 + SSLOT + s

                @pl.when(c2 < sit)
                def _():
                    pltpu.make_async_copy(
                        ft.at[pl.ds(base, SCH)], buf[s], ssem[s]).wait()
                    fire_load(s, c2)
            return carry

        lax.fori_loop(0, ngrp, outer, 0)
        for s in range(rem):
            c = ngrp * SSLOT + s
            pltpu.make_async_copy(
                ft.at[pl.ds(base + c * SCH, SCH)], buf[s], lsem[s]).wait()
            pltpu.async_copy(buf[s], shared.at[idx2.at[c]], ssem[s], add=True)
        for s in range(SSLOT):
            pltpu.make_async_copy(
                ft.at[pl.ds(base, SCH)], buf[s], ssem[s]).wait()
        plsc.subcore_barrier()
        pltpu.sync_copy(shared.at[pl.ds(sid * NPT, NPT)],
                        parts.at[cid, pl.ds(sid * NPT, NPT)])

        @pl.when(sid == 15)
        def _():
            pltpu.sync_copy(shared.at[pl.ds(16 * NPT, NTAIL)],
                            parts.at[cid, pl.ds(16 * NPT, NTAIL)])

    return scatter_k


_scatter_f = _make_scatter(H, None, E2)
_scatter_t = _make_scatter(16, _LINEAR, E2)


def _node_body(pf0_ref, pt0_ref, h_ref, cp_ref, wn1a_ref,
               wn1b_ref, bn1_ref, wn2_ref, bn2_ref, ho_ref, co_ref):
    aggh = pf0_ref[0] + pf0_ref[1]
    aggt = pt0_ref[0] + pt0_ref[1]
    denom = jnp.maximum(aggt[:, 3:4], 1.0)
    co_ref[...] = cp_ref[...] + aggt / denom
    hh = h_ref[...]
    t = _silu(jnp.dot(hh, wn1a_ref[...], preferred_element_type=F32) +
              jnp.dot(aggh, wn1b_ref[...], preferred_element_type=F32) +
              bn1_ref[...])
    ho_ref[...] = hh + jnp.dot(t, wn2_ref[...], preferred_element_type=F32) + bn2_ref[...]


def _node(pf0, pt0, h, cp, wn1a, wn1b, bn1, wn2, bn2):
    full = lambda r, c: pl.BlockSpec((r, c), lambda i: (0, 0))
    psp = pl.BlockSpec((2, BN, H), lambda i: (0, i, 0))
    tsp = pl.BlockSpec((2, BN, 16), lambda i: (0, i, 0))
    return pl.pallas_call(
        _node_body,
        grid=(N // BN,),
        in_specs=[
            psp, tsp,
            pl.BlockSpec((BN, D), lambda i: (i, 0)),
            pl.BlockSpec((BN, 16), lambda i: (i, 0)),
            full(D, H), full(H, H), full(1, H),
            full(H, D), full(1, D),
        ],
        out_specs=[
            pl.BlockSpec((BN, D), lambda i: (i, 0)),
            pl.BlockSpec((BN, 16), lambda i: (i, 0)),
        ],
        out_shape=[
            jax.ShapeDtypeStruct((N, D), F32),
            jax.ShapeDtypeStruct((N, 16), F32),
        ],
    )(pf0, pt0, h, cp, wn1a, wn1b, bn1, wn2, bn2)


def kernel(h, edge_index, coord, edge_attr,
           We1, be1, We2, be2, Wn1, bn1, Wn2, bn2, Wc1, bc1, Wc2):
    row = edge_index[0]
    col = edge_index[1]
    cp = jnp.pad(coord, ((0, 0), (0, 13)))
    cp128 = jnp.pad(coord, ((0, 0), (0, 125)))
    sel = jnp.eye(H, 16, dtype=F32)

    ta, tb = _prep(h, cp128, We1[:H], We1[H:2 * H])

    w1c = We1[2 * H + 1:]
    b1 = be1.reshape(1, H)
    wr = We1[2 * H].reshape(1, H)
    b2 = be2.reshape(1, H)
    bc1r = bc1.reshape(1, H)
    wc2r = Wc2.reshape(1, H)
    w2b = We2.astype(BF16)
    wc1b = Wc1.astype(BF16)
    zf = jnp.zeros((N, H), F32)
    zt = jnp.zeros((N, 16), F32)

    sit = (E2 // NW) // SCH
    ga, gb = _gather2(row, col, ta, tb)
    f, t16 = _edge(ga, gb, edge_attr, w1c, b1, wr, w2b, b2, wc1b, bc1r,
                   wc2r, sel)
    r3 = row.reshape(NW, sit, SCH)
    pf = _scatter_f(r3, f, zf)[0]
    pt = _scatter_t(r3, t16, zt)[0]

    ho, co = _node(pf, pt, h, cp, Wn1[:D], Wn1[D:], bn1.reshape(1, H),
                   Wn2, bn2.reshape(1, D))
    return (ho, co[:, :3], edge_attr)

# --- scband reference (transcript-rebuilt; emitter-appended) ---
"""Pipeline reference for scband-e-gcl-23759759082004 (READ-ONLY COPY).

The authoritative reference and input builder live on the scoring server;
editing this copy changes nothing except your own understanding.
"""

import jax, jax.numpy as jnp
import numpy as np


def silu(x):
    return x * jax.nn.sigmoid(x)


def setup_inputs(seed: int = 0) -> dict:
    key = jax.random.key(seed)
    ks = jax.random.split(key, 20)
    N, E, D, H, DE = 10000, 320000, 128, 128, 16
    edge_in = 2 * H + 1 + DE  # 273
    h = jax.random.normal(ks[0], (N, D), dtype=jnp.float32)
    edge_index = jax.random.randint(ks[1], (2, E), 0, N)
    coord = jax.random.normal(ks[2], (N, 3), dtype=jnp.float32)
    edge_attr = jax.random.normal(ks[3], (E, DE), dtype=jnp.float32)
    s = 0.05
    We1 = jax.random.normal(ks[4], (edge_in, H), dtype=jnp.float32) * s
    be1 = jnp.zeros((H,), dtype=jnp.float32)
    We2 = jax.random.normal(ks[5], (H, H), dtype=jnp.float32) * s
    be2 = jnp.zeros((H,), dtype=jnp.float32)
    Wn1 = jax.random.normal(ks[6], (H + D, H), dtype=jnp.float32) * s
    bn1 = jnp.zeros((H,), dtype=jnp.float32)
    Wn2 = jax.random.normal(ks[7], (H, D), dtype=jnp.float32) * s
    bn2 = jnp.zeros((D,), dtype=jnp.float32)
    Wc1 = jax.random.normal(ks[8], (H, H), dtype=jnp.float32) * s
    bc1 = jnp.zeros((H,), dtype=jnp.float32)
    Wc2 = jax.random.normal(ks[9], (H, 1), dtype=jnp.float32) * 0.001  # xavier gain=0.001, no bias
    return {"h": h, "edge_index": edge_index, "coord": coord, "edge_attr": edge_attr,
            "We1": We1, "be1": be1, "We2": We2, "be2": be2,
            "Wn1": Wn1, "bn1": bn1, "Wn2": Wn2, "bn2": bn2,
            "Wc1": Wc1, "bc1": bc1, "Wc2": Wc2}


def reference(h, edge_index, coord, edge_attr,
              We1, be1, We2, be2, Wn1, bn1, Wn2, bn2, Wc1, bc1, Wc2):
    N = h.shape[0]
    row = edge_index[0]
    col = edge_index[1]
    # coord2radial
    coord_diff = coord[row] - coord[col]
    radial = jnp.sum(coord_diff ** 2, axis=1, keepdims=True)
    # edge_model
    edge_in = jnp.concatenate([h[row], h[col], radial, edge_attr], axis=1)
    m = silu(edge_in @ We1 + be1)
    edge_feat = silu(m @ We2 + be2)
    # coord_model (coords_agg='mean')
    gate = silu(edge_feat @ Wc1 + bc1) @ Wc2  # [E, 1]
    trans = coord_diff * gate
    agg_sum = jax.ops.segment_sum(trans, row, num_segments=N)
    cnt = jax.ops.segment_sum(jnp.ones_like(trans), row, num_segments=N)
    agg_mean = agg_sum / jnp.clip(cnt, 1.0, None)
    coord_out = coord + agg_mean
    # node_model (residual=True)
    agg_h = jax.ops.segment_sum(edge_feat, row, num_segments=N)
    node_in = jnp.concatenate([h, agg_h], axis=1)
    h_out = h + (silu(node_in @ Wn1 + bn1) @ Wn2 + bn2)
    return (h_out, coord_out, edge_attr)

if __name__ == "__main__":
    import jax
    _d = setup_inputs()
    print(jax.jit(kernel)(*tuple(_d.values())))

</pallas_src>

<mosaic_0001>
#map = affine_map<(d0, d1) -> (0, 0, 0)>
#map1 = affine_map<(d0, d1) -> (0, 0)>
module attributes {stable_mosaic.version = 14 : i64} {
  func.func @scatter_k(%arg0: i32, %arg1: i32, %arg2: memref<32x250x40xi32, #tpu.memory_space<hbm>>, %arg3: memref<320000x128xf32, #tpu.memory_space<hbm>>, %arg4: memref<10000x128xf32, #tpu.memory_space<hbm>>, %arg5: memref<2x10000x128xf32, #tpu.memory_space<hbm>>, %arg6: memref<250x40xi32, #tpu.memory_space<vmem>>, %arg7: memref<40x128xf32, #tpu.memory_space<vmem>>, %arg8: memref<40x128xf32, #tpu.memory_space<vmem>>, %arg9: memref<!tpu.dma_semaphore, #tpu.memory_space<semaphore_mem>>, %arg10: memref<!tpu.dma_semaphore, #tpu.memory_space<semaphore_mem>>, %arg11: memref<!tpu.dma_semaphore, #tpu.memory_space<semaphore_mem>>, %arg12: memref<!tpu.dma_semaphore, #tpu.memory_space<semaphore_mem>>, %arg13: memref<10000x128xf32, #tpu.memory_space<vmem_shared>>) attributes {dimension_semantics = [#tpu.dimension_semantics<core_parallel>, #tpu.dimension_semantics<subcore_parallel>], iteration_bounds = array<i64: 2, 16>, scalar_prefetch = 0 : i64, scratch_operands = 8 : i64, tpu.core_type = #tpu.core_type<sc_vector_subcore>, window_params = [{transform_indices = #map}, {transform_indices = #map1}, {transform_indices = #map1}, {transform_indices = #map}]} {
    %mul3A = arith.constant 2 : i32
    %mul3A_0 = arith.muli %arg1, %mul3A : i32
    %add3A = arith.addi %mul3A_0, %arg0 : i32
    %mul3A_1 = arith.constant 10000 : i32
    %mul3A_2 = arith.muli %add3A, %mul3A_1 : i32
    "tpu.region"() ({
      %run_scoped3A = tpu.sem_alloc : memref<!tpu.dma_semaphore, #tpu.memory_space<semaphore_mem>>
      %dma_start3A_42 = arith.constant 0 : i32
      %dma_start3A_43 = arith.constant 0 : i32
      %dma_start3A_44 = tpu.memref_slice %arg2[%add3A, %dma_start3A_42, %dma_start3A_43] : memref<32x250x40xi32, #tpu.memory_space<hbm>> -> memref<1x250x40xi32, #tpu.memory_space<hbm>>
      %dma_start3A_45 = tpu.memref_squeeze %dma_start3A_44 : memref<1x250x40xi32, #tpu.memory_space<hbm>> -> memref<250x40xi32, #tpu.memory_space<hbm>>
      %dma_start3A_46 = arith.constant 0 : i32
      %dma_start3A_47 = arith.constant 0 : i32
      %dma_start3A_48 = tpu.memref_slice %arg2[%add3A, %dma_start3A_46, %dma_start3A_47] : memref<32x250x40xi32, #tpu.memory_space<hbm>> -> memref<1x250x40xi32, #tpu.memory_space<hbm>>
      %dma_start3A_49 = tpu.memref_squeeze %dma_start3A_48 : memref<1x250x40xi32, #tpu.memory_space<hbm>> -> memref<250x40xi32, #tpu.memory_space<hbm>>
      tpu.enqueue_dma source(%dma_start3A_49 : memref<250x40xi32, #tpu.memory_space<hbm>>) target(%arg6 : memref<250x40xi32, #tpu.memory_space<vmem>>) target_semaphore(%run_scoped3A : memref<!tpu.dma_semaphore, #tpu.memory_space<semaphore_mem>>)
      %dma_wait3A_50 = arith.constant 0 : i32
      %dma_wait3A_51 = arith.constant 0 : i32
      %dma_wait3A_52 = tpu.memref_slice %arg2[%add3A, %dma_wait3A_50, %dma_wait3A_51] : memref<32x250x40xi32, #tpu.memory_space<hbm>> -> memref<1x250x40xi32, #tpu.memory_space<hbm>>
      %dma_wait3A_53 = tpu.memref_squeeze %dma_wait3A_52 : memref<1x250x40xi32, #tpu.memory_space<hbm>> -> memref<250x40xi32, #tpu.memory_space<hbm>>
      %dma_wait3A_54 = arith.constant 0 : i32
      %dma_wait3A_55 = arith.constant 0 : i32
      %dma_wait3A_56 = tpu.memref_slice %arg2[%add3A, %dma_wait3A_54, %dma_wait3A_55] : memref<32x250x40xi32, #tpu.memory_space<hbm>> -> memref<1x250x40xi32, #tpu.memory_space<hbm>>
      %dma_wait3A_57 = tpu.memref_squeeze %dma_wait3A_56 : memref<1x250x40xi32, #tpu.memory_space<hbm>> -> memref<250x40xi32, #tpu.memory_space<hbm>>
      tpu.wait_dma2 semaphore(%run_scoped3A : memref<!tpu.dma_semaphore, #tpu.memory_space<semaphore_mem>>) src(%dma_wait3A_57 : memref<250x40xi32, #tpu.memory_space<hbm>>) dst(%arg6 : memref<250x40xi32, #tpu.memory_space<vmem>>)
      tpu.yield
    }) : () -> ()
    %mul3A_3 = arith.constant 624 : i32
    %mul3A_4 = arith.muli %arg1, %mul3A_3 : i32
    %mul3A_5 = arith.constant 624 : i32
    %mul3A_6 = arith.muli %arg1, %mul3A_5 : i32
    "tpu.region"() ({
      %run_scoped3A = tpu.sem_alloc : memref<!tpu.dma_semaphore, #tpu.memory_space<semaphore_mem>>
      %dma_start3A_42 = arith.constant 0 : i32
      %dma_start3A_43 = tpu.memref_slice %arg13[%mul3A_6, %dma_start3A_42] : memref<10000x128xf32, #tpu.memory_space<vmem_shared>> -> memref<624x128xf32, #tpu.memory_space<vmem_shared>>
      %dma_start3A_44 = arith.constant 0 : i32
      %dma_start3A_45 = tpu.memref_slice %arg4[%mul3A_4, %dma_start3A_44] : memref<10000x128xf32, #tpu.memory_space<hbm>> -> memref<624x128xf32, #tpu.memory_space<hbm>>
      tpu.enqueue_dma source(%dma_start3A_45 : memref<624x128xf32, #tpu.memory_space<hbm>>) target(%dma_start3A_43 : memref<624x128xf32, #tpu.memory_space<vmem_shared>>) target_semaphore(%run_scoped3A : memref<!tpu.dma_semaphore, #tpu.memory_space<semaphore_mem>>)
      %dma_wait3A_46 = arith.constant 0 : i32
      %dma_wait3A_47 = tpu.memref_slice %arg13[%mul3A_6, %dma_wait3A_46] : memref<10000x128xf32, #tpu.memory_space<vmem_shared>> -> memref<624x128xf32, #tpu.memory_space<vmem_shared>>
      %dma_wait3A_48 = arith.constant 0 : i32
      %dma_wait3A_49 = tpu.memref_slice %arg4[%mul3A_4, %dma_wait3A_48] : memref<10000x128xf32, #tpu.memory_space<hbm>> -> memref<624x128xf32, #tpu.memory_space<hbm>>
      tpu.wait_dma2 semaphore(%run_scoped3A : memref<!tpu.dma_semaphore, #tpu.memory_space<semaphore_mem>>) src(%dma_wait3A_49 : memref<624x128xf32, #tpu.memory_space<hbm>>) dst(%dma_wait3A_47 : memref<624x128xf32, #tpu.memory_space<vmem_shared>>)
      tpu.yield
    }) : () -> ()
    %eq3A = arith.constant 15 : i32
    %eq3A_7 = arith.cmpi eq, %arg1, %eq3A : i32
    %convert_element_type3A = arith.extui %eq3A_7 : i1 to i32
    %cond3A = arith.constant 0 : i32
    %cond3A_8 = arith.cmpi ne, %convert_element_type3A, %cond3A : i32
    scf.if %cond3A_8 {
      "tpu.region"() ({
        %run_scoped3A = tpu.sem_alloc : memref<!tpu.dma_semaphore, #tpu.memory_space<semaphore_mem>>
        %dma_start3A_42 = arith.constant 9984 : i32
        %dma_start3A_43 = arith.constant 0 : i32
        %dma_start3A_44 = tpu.memref_slice %arg13[%dma_start3A_42, %dma_start3A_43] : memref<10000x128xf32, #tpu.memory_space<vmem_shared>> -> memref<16x128xf32, #tpu.memory_space<vmem_shared>>
        %dma_start3A_45 = arith.constant 9984 : i32
        %dma_start3A_46 = arith.constant 0 : i32
        %dma_start3A_47 = tpu.memref_slice %arg4[%dma_start3A_45, %dma_start3A_46] : memref<10000x128xf32, #tpu.memory_space<hbm>> -> memref<16x128xf32, #tpu.memory_space<hbm>>
        tpu.enqueue_dma source(%dma_start3A_47 : memref<16x128xf32, #tpu.memory_space<hbm>>) target(%dma_start3A_44 : memref<16x128xf32, #tpu.memory_space<vmem_shared>>) target_semaphore(%run_scoped3A : memref<!tpu.dma_semaphore, #tpu.memory_space<semaphore_mem>>)
        %dma_wait3A_48 = arith.constant 9984 : i32
        %dma_wait3A_49 = arith.constant 0 : i32
        %dma_wait3A_50 = tpu.memref_slice %arg13[%dma_wait3A_48, %dma_wait3A_49] : memref<10000x128xf32, #tpu.memory_space<vmem_shared>> -> memref<16x128xf32, #tpu.memory_space<vmem_shared>>
        %dma_wait3A_51 = arith.constant 9984 : i32
        %dma_wait3A_52 = arith.constant 0 : i32
        %dma_wait3A_53 = tpu.memref_slice %arg4[%dma_wait3A_51, %dma_wait3A_52] : memref<10000x128xf32, #tpu.memory_space<hbm>> -> memref<16x128xf32, #tpu.memory_space<hbm>>
        tpu.wait_dma2 semaphore(%run_scoped3A : memref<!tpu.dma_semaphore, #tpu.memory_space<semaphore_mem>>) src(%dma_wait3A_53 : memref<16x128xf32, #tpu.memory_space<hbm>>) dst(%dma_wait3A_50 : memref<16x128xf32, #tpu.memory_space<vmem_shared>>)
        tpu.yield
      }) : () -> ()
    } else {
    }
    %barrier3A = arith.constant 0 : index
    tpu.barrier barrier_id(%barrier3A)
    %add3A_9 = arith.constant 0 : i32
    %add3A_10 = arith.addi %mul3A_2, %add3A_9 : i32
    %dma_start3A = arith.constant 0 : i32
    %dma_start3A_11 = tpu.memref_slice %arg3[%add3A_10, %dma_start3A] : memref<320000x128xf32, #tpu.memory_space<hbm>> -> memref<40x128xf32, #tpu.memory_space<hbm>>
    %dma_start3A_12 = arith.constant 0 : i32
    %dma_start3A_13 = tpu.memref_slice %arg3[%add3A_10, %dma_start3A_12] : memref<320000x128xf32, #tpu.memory_space<hbm>> -> memref<40x128xf32, #tpu.memory_space<hbm>>
    tpu.enqueue_dma source(%dma_start3A_13 : memref<40x128xf32, #tpu.memory_space<hbm>>) target(%arg7 : memref<40x128xf32, #tpu.memory_space<vmem>>) target_semaphore(%arg9 : memref<!tpu.dma_semaphore, #tpu.memory_space<semaphore_mem>>)
    %add3A_14 = arith.constant 40 : i32
    %add3A_15 = arith.addi %mul3A_2, %add3A_14 : i32
    %dma_start3A_16 = arith.constant 0 : i32
    %dma_start3A_17 = tpu.memref_slice %arg3[%add3A_15, %dma_start3A_16] : memref<320000x128xf32, #tpu.memory_space<hbm>> -> memref<40x128xf32, #tpu.memory_space<hbm>>
    %dma_start3A_18 = arith.constant 0 : i32
    %dma_start3A_19 = tpu.memref_slice %arg3[%add3A_15, %dma_start3A_18] : memref<320000x128xf32, #tpu.memory_space<hbm>> -> memref<40x128xf32, #tpu.memory_space<hbm>>
    tpu.enqueue_dma source(%dma_start3A_19 : memref<40x128xf32, #tpu.memory_space<hbm>>) target(%arg8 : memref<40x128xf32, #tpu.memory_space<vmem>>) target_semaphore(%arg10 : memref<!tpu.dma_semaphore, #tpu.memory_space<semaphore_mem>>)
    %scan3A = arith.constant 0 : i32
    %scan3A_20 = arith.constant 0 : i32
    %scan3A_21 = arith.constant 125 : i32
    %scan3A_22 = arith.addi %scan3A_20, %scan3A_21 : i32
    %scan3A_23 = arith.constant 1 : i32
    scf.for %scan3A_42 = %scan3A_20 to %scan3A_22 step %scan3A_23  : i32 {
      %mul3A_43 = arith.constant 2 : i32
      %mul3A_44 = arith.muli %scan3A_42, %mul3A_43 : i32
      %add3A_45 = arith.constant 0 : i32
      %add3A_46 = arith.addi %mul3A_44, %add3A_45 : i32
      %mul3A_47 = arith.constant 40 : i32
      %mul3A_48 = arith.muli %add3A_46, %mul3A_47 : i32
      %add3A_49 = arith.addi %mul3A_2, %mul3A_48 : i32
      %dma_wait3A_50 = arith.constant 0 : i32
      %dma_wait3A_51 = tpu.memref_slice %arg3[%add3A_49, %dma_wait3A_50] : memref<320000x128xf32, #tpu.memory_space<hbm>> -> memref<40x128xf32, #tpu.memory_space<hbm>>
      %dma_wait3A_52 = arith.constant 0 : i32
      %dma_wait3A_53 = tpu.memref_slice %arg3[%add3A_49, %dma_wait3A_52] : memref<320000x128xf32, #tpu.memory_space<hbm>> -> memref<40x128xf32, #tpu.memory_space<hbm>>
      tpu.wait_dma2 semaphore(%arg9 : memref<!tpu.dma_semaphore, #tpu.memory_space<semaphore_mem>>) src(%dma_wait3A_53 : memref<40x128xf32, #tpu.memory_space<hbm>>) dst(%arg7 : memref<40x128xf32, #tpu.memory_space<vmem>>)
      %dma_start3A_54 = arith.constant 0 : i32
      %dma_start3A_55 = tpu.memref_slice %arg6[%add3A_46, %dma_start3A_54] : memref<250x40xi32, #tpu.memory_space<vmem>> -> memref<1x40xi32, #tpu.memory_space<vmem>>
      %dma_start3A_56 = tpu.memref_squeeze %dma_start3A_55 : memref<1x40xi32, #tpu.memory_space<vmem>> -> memref<40xi32, #tpu.memory_space<vmem>>
      %dma_start3A_57 = arith.constant 0 : i32
      %dma_start3A_58 = arith.constant 0 : i32
      %dma_start3A_59 = tpu.memref_slice %arg13[%dma_start3A_57, %dma_start3A_58] : memref<10000x128xf32, #tpu.memory_space<vmem_shared>> -> memref<10000x128xf32, #tpu.memory_space<vmem_shared>>
      tpu.enqueue_indirect_dma source(%arg7 : memref<40x128xf32, #tpu.memory_space<vmem>>) target(%dma_start3A_59 : memref<10000x128xf32, #tpu.memory_space<vmem_shared>>) offsets(%dma_start3A_56 : memref<40xi32, #tpu.memory_space<vmem>>) semaphore(%arg11 : memref<!tpu.dma_semaphore, #tpu.memory_space<semaphore_mem>>) {add = true}
      %add3A_60 = arith.constant 1 : i32
      %add3A_61 = arith.addi %mul3A_44, %add3A_60 : i32
      %mul3A_62 = arith.constant 40 : i32
      %mul3A_63 = arith.muli %add3A_61, %mul3A_62 : i32
      %add3A_64 = arith.addi %mul3A_2, %mul3A_63 : i32
      %dma_wait3A_65 = arith.constant 0 : i32
      %dma_wait3A_66 = tpu.memref_slice %arg3[%add3A_64, %dma_wait3A_65] : memref<320000x128xf32, #tpu.memory_space<hbm>> -> memref<40x128xf32, #tpu.memory_space<hbm>>
      %dma_wait3A_67 = arith.constant 0 : i32
      %dma_wait3A_68 = tpu.memref_slice %arg3[%add3A_64, %dma_wait3A_67] : memref<320000x128xf32, #tpu.memory_space<hbm>> -> memref<40x128xf32, #tpu.memory_space<hbm>>
      tpu.wait_dma2 semaphore(%arg10 : memref<!tpu.dma_semaphore, #tpu.memory_space<semaphore_mem>>) src(%dma_wait3A_68 : memref<40x128xf32, #tpu.memory_space<hbm>>) dst(%arg8 : memref<40x128xf32, #tpu.memory_space<vmem>>)
      %dma_start3A_69 = arith.constant 0 : i32
      %dma_start3A_70 = tpu.memref_slice %arg6[%add3A_61, %dma_start3A_69] : memref<250x40xi32, #tpu.memory_space<vmem>> -> memref<1x40xi32, #tpu.memory_space<vmem>>
      %dma_start3A_71 = tpu.memref_squeeze %dma_start3A_70 : memref<1x40xi32, #tpu.memory_space<vmem>> -> memref<40xi32, #tpu.memory_space<vmem>>
      %dma_start3A_72 = arith.constant 0 : i32
      %dma_start3A_73 = arith.constant 0 : i32
      %dma_start3A_74 = tpu.memref_slice %arg13[%dma_start3A_72, %dma_start3A_73] : memref<10000x128xf32, #tpu.memory_space<vmem_shared>> -> memref<10000x128xf32, #tpu.memory_space<vmem_shared>>
      tpu.enqueue_indirect_dma source(%arg8 : memref<40x128xf32, #tpu.memory_space<vmem>>) target(%dma_start3A_74 : memref<10000x128xf32, #tpu.memory_space<vmem_shared>>) offsets(%dma_start3A_71 : memref<40xi32, #tpu.memory_space<vmem>>) semaphore(%arg12 : memref<!tpu.dma_semaphore, #tpu.memory_space<semaphore_mem>>) {add = true}
      %add3A_75 = arith.constant 2 : i32
      %add3A_76 = arith.addi %mul3A_44, %add3A_75 : i32
      %add3A_77 = arith.constant 0 : i32
      %add3A_78 = arith.addi %add3A_76, %add3A_77 : i32
      %lt3A = arith.constant 250 : i32
      %lt3A_79 = arith.cmpi slt, %add3A_78, %lt3A : i32
      %convert_element_type3A_80 = arith.extui %lt3A_79 : i1 to i32
      %cond3A_81 = arith.constant 0 : i32
      %cond3A_82 = arith.cmpi ne, %convert_element_type3A_80, %cond3A_81 : i32
      scf.if %cond3A_82 {
        %dma_wait3A_92 = arith.constant 0 : i32
        %dma_wait3A_93 = tpu.memref_slice %arg3[%mul3A_2, %dma_wait3A_92] : memref<320000x128xf32, #tpu.memory_space<hbm>> -> memref<40x128xf32, #tpu.memory_space<hbm>>
        %dma_wait3A_94 = arith.constant 0 : i32
        %dma_wait3A_95 = tpu.memref_slice %arg3[%mul3A_2, %dma_wait3A_94] : memref<320000x128xf32, #tpu.memory_space<hbm>> -> memref<40x128xf32, #tpu.memory_space<hbm>>
        tpu.wait_dma2 semaphore(%arg11 : memref<!tpu.dma_semaphore, #tpu.memory_space<semaphore_mem>>) src(%dma_wait3A_95 : memref<40x128xf32, #tpu.memory_space<hbm>>) dst(%arg7 : memref<40x128xf32, #tpu.memory_space<vmem>>)
        %mul3A_96 = arith.constant 40 : i32
        %mul3A_97 = arith.muli %add3A_78, %mul3A_96 : i32
        %add3A_98 = arith.addi %mul3A_2, %mul3A_97 : i32
        %dma_start3A_99 = arith.constant 0 : i32
        %dma_start3A_100 = tpu.memref_slice %arg3[%add3A_98, %dma_start3A_99] : memref<320000x128xf32, #tpu.memory_space<hbm>> -> memref<40x128xf32, #tpu.memory_space<hbm>>
        %dma_start3A_101 = arith.constant 0 : i32
        %dma_start3A_102 = tpu.memref_slice %arg3[%add3A_98, %dma_start3A_101] : memref<320000x128xf32, #tpu.memory_space<hbm>> -> memref<40x128xf32, #tpu.memory_space<hbm>>
        tpu.enqueue_dma source(%dma_start3A_102 : memref<40x128xf32, #tpu.memory_space<hbm>>) target(%arg7 : memref<40x128xf32, #tpu.memory_space<vmem>>) target_semaphore(%arg9 : memref<!tpu.dma_semaphore, #tpu.memory_space<semaphore_mem>>)
      } else {
      }
      %add3A_83 = arith.constant 2 : i32
      %add3A_84 = arith.addi %mul3A_44, %add3A_83 : i32
      %add3A_85 = arith.constant 1 : i32
      %add3A_86 = arith.addi %add3A_84, %add3A_85 : i32
      %lt3A_87 = arith.constant 250 : i32
      %lt3A_88 = arith.cmpi slt, %add3A_86, %lt3A_87 : i32
      %convert_element_type3A_89 = arith.extui %lt3A_88 : i1 to i32
      %cond3A_90 = arith.constant 0 : i32
      %cond3A_91 = arith.cmpi ne, %convert_element_type3A_89, %cond3A_90 : i32
      scf.if %cond3A_91 {
        %dma_wait3A_92 = arith.constant 0 : i32
        %dma_wait3A_93 = tpu.memref_slice %arg3[%mul3A_2, %dma_wait3A_92] : memref<320000x128xf32, #tpu.memory_space<hbm>> -> memref<40x128xf32, #tpu.memory_space<hbm>>
        %dma_wait3A_94 = arith.constant 0 : i32
        %dma_wait3A_95 = tpu.memref_slice %arg3[%mul3A_2, %dma_wait3A_94] : memref<320000x128xf32, #tpu.memory_space<hbm>> -> memref<40x128xf32, #tpu.memory_space<hbm>>
        tpu.wait_dma2 semaphore(%arg12 : memref<!tpu.dma_semaphore, #tpu.memory_space<semaphore_mem>>) src(%dma_wait3A_95 : memref<40x128xf32, #tpu.memory_space<hbm>>) dst(%arg8 : memref<40x128xf32, #tpu.memory_space<vmem>>)
        %mul3A_96 = arith.constant 40 : i32
        %mul3A_97 = arith.muli %add3A_86, %mul3A_96 : i32
        %add3A_98 = arith.addi %mul3A_2, %mul3A_97 : i32
        %dma_start3A_99 = arith.constant 0 : i32
        %dma_start3A_100 = tpu.memref_slice %arg3[%add3A_98, %dma_start3A_99] : memref<320000x128xf32, #tpu.memory_space<hbm>> -> memref<40x128xf32, #tpu.memory_space<hbm>>
        %dma_start3A_101 = arith.constant 0 : i32
        %dma_start3A_102 = tpu.memref_slice %arg3[%add3A_98, %dma_start3A_101] : memref<320000x128xf32, #tpu.memory_space<hbm>> -> memref<40x128xf32, #tpu.memory_space<hbm>>
        tpu.enqueue_dma source(%dma_start3A_102 : memref<40x128xf32, #tpu.memory_space<hbm>>) target(%arg8 : memref<40x128xf32, #tpu.memory_space<vmem>>) target_semaphore(%arg10 : memref<!tpu.dma_semaphore, #tpu.memory_space<semaphore_mem>>)
      } else {
      }
    }
    %scan3A_24 = arith.constant 125 : i32
    %dma_wait3A = arith.constant 0 : i32
    %dma_wait3A_25 = tpu.memref_slice %arg3[%mul3A_2, %dma_wait3A] : memref<320000x128xf32, #tpu.memory_space<hbm>> -> memref<40x128xf32, #tpu.memory_space<hbm>>
    %dma_wait3A_26 = arith.constant 0 : i32
    %dma_wait3A_27 = tpu.memref_slice %arg3[%mul3A_2, %dma_wait3A_26] : memref<320000x128xf32, #tpu.memory_space<hbm>> -> memref<40x128xf32, #tpu.memory_space<hbm>>
    tpu.wait_dma2 semaphore(%arg11 : memref<!tpu.dma_semaphore, #tpu.memory_space<semaphore_mem>>) src(%dma_wait3A_27 : memref<40x128xf32, #tpu.memory_space<hbm>>) dst(%arg7 : memref<40x128xf32, #tpu.memory_space<vmem>>)
    %dma_wait3A_28 = arith.constant 0 : i32
    %dma_wait3A_29 = tpu.memref_slice %arg3[%mul3A_2, %dma_wait3A_28] : memref<320000x128xf32, #tpu.memory_space<hbm>> -> memref<40x128xf32, #tpu.memory_space<hbm>>
    %dma_wait3A_30 = arith.constant 0 : i32
    %dma_wait3A_31 = tpu.memref_slice %arg3[%mul3A_2, %dma_wait3A_30] : memref<320000x128xf32, #tpu.memory_space<hbm>> -> memref<40x128xf32, #tpu.memory_space<hbm>>
    tpu.wait_dma2 semaphore(%arg12 : memref<!tpu.dma_semaphore, #tpu.memory_space<semaphore_mem>>) src(%dma_wait3A_31 : memref<40x128xf32, #tpu.memory_space<hbm>>) dst(%arg8 : memref<40x128xf32, #tpu.memory_space<vmem>>)
    %barrier3A_32 = arith.constant 0 : index
    tpu.barrier barrier_id(%barrier3A_32)
    %mul3A_33 = arith.constant 624 : i32
    %mul3A_34 = arith.muli %arg1, %mul3A_33 : i32
    %mul3A_35 = arith.constant 624 : i32
    %mul3A_36 = arith.muli %arg1, %mul3A_35 : i32
    "tpu.region"() ({
      %run_scoped3A = tpu.sem_alloc : memref<!tpu.dma_semaphore, #tpu.memory_space<semaphore_mem>>
      %dma_start3A_42 = arith.constant 0 : i32
      %dma_start3A_43 = tpu.memref_slice %arg5[%arg0, %mul3A_36, %dma_start3A_42] : memref<2x10000x128xf32, #tpu.memory_space<hbm>> -> memref<1x624x128xf32, #tpu.memory_space<hbm>>
      %dma_start3A_44 = tpu.memref_squeeze %dma_start3A_43 : memref<1x624x128xf32, #tpu.memory_space<hbm>> -> memref<624x128xf32, #tpu.memory_space<hbm>>
      %dma_start3A_45 = arith.constant 0 : i32
      %dma_start3A_46 = tpu.memref_slice %arg13[%mul3A_34, %dma_start3A_45] : memref<10000x128xf32, #tpu.memory_space<vmem_shared>> -> memref<624x128xf32, #tpu.memory_space<vmem_shared>>
      tpu.enqueue_dma source(%dma_start3A_46 : memref<624x128xf32, #tpu.memory_space<vmem_shared>>) target(%dma_start3A_44 : memref<624x128xf32, #tpu.memory_space<hbm>>) target_semaphore(%run_scoped3A : memref<!tpu.dma_semaphore, #tpu.memory_space<semaphore_mem>>)
      %dma_wait3A_47 = arith.constant 0 : i32
      %dma_wait3A_48 = tpu.memref_slice %arg5[%arg0, %mul3A_36, %dma_wait3A_47] : memref<2x10000x128xf32, #tpu.memory_space<hbm>> -> memref<1x624x128xf32, #tpu.memory_space<hbm>>
      %dma_wait3A_49 = tpu.memref_squeeze %dma_wait3A_48 : memref<1x624x128xf32, #tpu.memory_space<hbm>> -> memref<624x128xf32, #tpu.memory_space<hbm>>
      %dma_wait3A_50 = arith.constant 0 : i32
      %dma_wait3A_51 = tpu.memref_slice %arg13[%mul3A_34, %dma_wait3A_50] : memref<10000x128xf32, #tpu.memory_space<vmem_shared>> -> memref<624x128xf32, #tpu.memory_space<vmem_shared>>
      tpu.wait_dma2 semaphore(%run_scoped3A : memref<!tpu.dma_semaphore, #tpu.memory_space<semaphore_mem>>) src(%dma_wait3A_51 : memref<624x128xf32, #tpu.memory_space<vmem_shared>>) dst(%dma_wait3A_49 : memref<624x128xf32, #tpu.memory_space<hbm>>)
      tpu.yield
    }) : () -> ()
    %eq3A_37 = arith.constant 15 : i32
    %eq3A_38 = arith.cmpi eq, %arg1, %eq3A_37 : i32
    %convert_element_type3A_39 = arith.extui %eq3A_38 : i1 to i32
    %cond3A_40 = arith.constant 0 : i32
    %cond3A_41 = arith.cmpi ne, %convert_element_type3A_39, %cond3A_40 : i32
    scf.if %cond3A_41 {
      "tpu.region"() ({
        %run_scoped3A = tpu.sem_alloc : memref<!tpu.dma_semaphore, #tpu.memory_space<semaphore_mem>>
        %dma_start3A_42 = arith.constant 9984 : i32
        %dma_start3A_43 = arith.constant 0 : i32
        %dma_start3A_44 = tpu.memref_slice %arg5[%arg0, %dma_start3A_42, %dma_start3A_43] : memref<2x10000x128xf32, #tpu.memory_space<hbm>> -> memref<1x16x128xf32, #tpu.memory_space<hbm>>
        %dma_start3A_45 = tpu.memref_squeeze %dma_start3A_44 : memref<1x16x128xf32, #tpu.memory_space<hbm>> -> memref<16x128xf32, #tpu.memory_space<hbm>>
        %dma_start3A_46 = arith.constant 9984 : i32
        %dma_start3A_47 = arith.constant 0 : i32
        %dma_start3A_48 = tpu.memref_slice %arg13[%dma_start3A_46, %dma_start3A_47] : memref<10000x128xf32, #tpu.memory_space<vmem_shared>> -> memref<16x128xf32, #tpu.memory_space<vmem_shared>>
        tpu.enqueue_dma source(%dma_start3A_48 : memref<16x128xf32, #tpu.memory_space<vmem_shared>>) target(%dma_start3A_45 : memref<16x128xf32, #tpu.memory_space<hbm>>) target_semaphore(%run_scoped3A : memref<!tpu.dma_semaphore, #tpu.memory_space<semaphore_mem>>)
        %dma_wait3A_49 = arith.constant 9984 : i32
        %dma_wait3A_50 = arith.constant 0 : i32
        %dma_wait3A_51 = tpu.memref_slice %arg5[%arg0, %dma_wait3A_49, %dma_wait3A_50] : memref<2x10000x128xf32, #tpu.memory_space<hbm>> -> memref<1x16x128xf32, #tpu.memory_space<hbm>>
        %dma_wait3A_52 = tpu.memref_squeeze %dma_wait3A_51 : memref<1x16x128xf32, #tpu.memory_space<hbm>> -> memref<16x128xf32, #tpu.memory_space<hbm>>
        %dma_wait3A_53 = arith.constant 9984 : i32
        %dma_wait3A_54 = arith.constant 0 : i32
        %dma_wait3A_55 = tpu.memref_slice %arg13[%dma_wait3A_53, %dma_wait3A_54] : memref<10000x128xf32, #tpu.memory_space<vmem_shared>> -> memref<16x128xf32, #tpu.memory_space<vmem_shared>>
        tpu.wait_dma2 semaphore(%run_scoped3A : memref<!tpu.dma_semaphore, #tpu.memory_space<semaphore_mem>>) src(%dma_wait3A_55 : memref<16x128xf32, #tpu.memory_space<vmem_shared>>) dst(%dma_wait3A_52 : memref<16x128xf32, #tpu.memory_space<hbm>>)
        tpu.yield
      }) : () -> ()
    } else {
    }
    return
  }
}

#map = affine_map<(d0, d1) -> (0)>
#map1 = affine_map<(d0, d1) -> (0, 0)>
module attributes {stable_mosaic.version = 14 : i64} {
  func.func @gather_k(%arg0: i32, %arg1: i32, %arg2: memref<320000xi32, #tpu.memory_space<hbm>>, %arg3: memref<320000xi32, #tpu.memory_space<hbm>>, %arg4: memref<10000x128xf32, #tpu.memory_space<hbm>>, %arg5: memref<10000x128xf32, #tpu.memory_space<hbm>>, %arg6: memref<320000x128xf32, #tpu.memory_space<hbm>>, %arg7: memref<320000x128xf32, #tpu.memory_space<hbm>>, %arg8: memref<10000xi32, #tpu.memory_space<vmem>>, %arg9: memref<10000xi32, #tpu.memory_space<vmem>>, %arg10: memref<80x128xf32, #tpu.memory_space<vmem>>, %arg11: memref<80x128xf32, #tpu.memory_space<vmem>>, %arg12: memref<80x128xf32, #tpu.memory_space<vmem>>, %arg13: memref<80x128xf32, #tpu.memory_space<vmem>>, %arg14: memref<80x128xf32, #tpu.memory_space<vmem>>, %arg15: memref<80x128xf32, #tpu.memory_space<vmem>>, %arg16: memref<!tpu.dma_semaphore, #tpu.memory_space<semaphore_mem>>, %arg17: memref<!tpu.dma_semaphore, #tpu.memory_space<semaphore_mem>>, %arg18: memref<!tpu.dma_semaphore, #tpu.memory_space<semaphore_mem>>, %arg19: memref<!tpu.dma_semaphore, #tpu.memory_space<semaphore_mem>>, %arg20: memref<!tpu.dma_semaphore, #tpu.memory_space<semaphore_mem>>, %arg21: memref<!tpu.dma_semaphore, #tpu.memory_space<semaphore_mem>>, %arg22: memref<!tpu.dma_semaphore, #tpu.memory_space<semaphore_mem>>, %arg23: memref<!tpu.dma_semaphore, #tpu.memory_space<semaphore_mem>>, %arg24: memref<!tpu.dma_semaphore, #tpu.memory_space<semaphore_mem>>, %arg25: memref<!tpu.dma_semaphore, #tpu.memory_space<semaphore_mem>>, %arg26: memref<!tpu.dma_semaphore, #tpu.memory_space<semaphore_mem>>, %arg27: memref<!tpu.dma_semaphore, #tpu.memory_space<semaphore_mem>>) attributes {dimension_semantics = [#tpu.dimension_semantics<core_parallel>, #tpu.dimension_semantics<subcore_parallel>], iteration_bounds = array<i64: 2, 16>, scalar_prefetch = 0 : i64, scratch_operands = 20 : i64, tpu.core_type = #tpu.core_type<sc_vector_subcore>, window_params = [{transform_indices = #map}, {transform_indices = #map}, {transform_indices = #map1}, {transform_indices = #map1}, {transform_indices = #map1}, {transform_indices = #map1}]} {
    %mul3A = arith.constant 2 : i32
    %mul3A_0 = arith.muli %arg1, %mul3A : i32
    %add3A = arith.addi %mul3A_0, %arg0 : i32
    %mul3A_1 = arith.constant 10000 : i32
    %mul3A_2 = arith.muli %add3A, %mul3A_1 : i32
    "tpu.region"() ({
      %run_scoped3A = tpu.sem_alloc : memref<!tpu.dma_semaphore, #tpu.memory_space<semaphore_mem>>
      %dma_start3A_104 = tpu.memref_slice %arg2[%mul3A_2] : memref<320000xi32, #tpu.memory_space<hbm>> -> memref<10000xi32, #tpu.memory_space<hbm>>
      %dma_start3A_105 = tpu.memref_slice %arg2[%mul3A_2] : memref<320000xi32, #tpu.memory_space<hbm>> -> memref<10000xi32, #tpu.memory_space<hbm>>
      tpu.enqueue_dma source(%dma_start3A_105 : memref<10000xi32, #tpu.memory_space<hbm>>) target(%arg8 : memref<10000xi32, #tpu.memory_space<vmem>>) target_semaphore(%run_scoped3A : memref<!tpu.dma_semaphore, #tpu.memory_space<semaphore_mem>>)
      %dma_wait3A_106 = tpu.memref_slice %arg2[%mul3A_2] : memref<320000xi32, #tpu.memory_space<hbm>> -> memref<10000xi32, #tpu.memory_space<hbm>>
      %dma_wait3A_107 = tpu.memref_slice %arg2[%mul3A_2] : memref<320000xi32, #tpu.memory_space<hbm>> -> memref<10000xi32, #tpu.memory_space<hbm>>
      tpu.wait_dma2 semaphore(%run_scoped3A : memref<!tpu.dma_semaphore, #tpu.memory_space<semaphore_mem>>) src(%dma_wait3A_107 : memref<10000xi32, #tpu.memory_space<hbm>>) dst(%arg8 : memref<10000xi32, #tpu.memory_space<vmem>>)
      tpu.yield
    }) : () -> ()
    "tpu.region"() ({
      %run_scoped3A = tpu.sem_alloc : memref<!tpu.dma_semaphore, #tpu.memory_space<semaphore_mem>>
      %dma_start3A_104 = tpu.memref_slice %arg3[%mul3A_2] : memref<320000xi32, #tpu.memory_space<hbm>> -> memref<10000xi32, #tpu.memory_space<hbm>>
      %dma_start3A_105 = tpu.memref_slice %arg3[%mul3A_2] : memref<320000xi32, #tpu.memory_space<hbm>> -> memref<10000xi32, #tpu.memory_space<hbm>>
      tpu.enqueue_dma source(%dma_start3A_105 : memref<10000xi32, #tpu.memory_space<hbm>>) target(%arg9 : memref<10000xi32, #tpu.memory_space<vmem>>) target_semaphore(%run_scoped3A : memref<!tpu.dma_semaphore, #tpu.memory_space<semaphore_mem>>)
      %dma_wait3A_106 = tpu.memref_slice %arg3[%mul3A_2] : memref<320000xi32, #tpu.memory_space<hbm>> -> memref<10000xi32, #tpu.memory_space<hbm>>
      %dma_wait3A_107 = tpu.memref_slice %arg3[%mul3A_2] : memref<320000xi32, #tpu.memory_space<hbm>> -> memref<10000xi32, #tpu.memory_space<hbm>>
      tpu.wait_dma2 semaphore(%run_scoped3A : memref<!tpu.dma_semaphore, #tpu.memory_space<semaphore_mem>>) src(%dma_wait3A_107 : memref<10000xi32, #tpu.memory_space<hbm>>) dst(%arg9 : memref<10000xi32, #tpu.memory_space<vmem>>)
      tpu.yield
    }) : () -> ()
    %dma_start3A = arith.constant 0 : i32
    %dma_start3A_3 = tpu.memref_slice %arg8[%dma_start3A] : memref<10000xi32, #tpu.memory_space<vmem>> -> memref<80xi32, #tpu.memory_space<vmem>>
    %dma_start3A_4 = arith.constant 0 : i32
    %dma_start3A_5 = arith.constant 0 : i32
    %dma_start3A_6 = tpu.memref_slice %arg4[%dma_start3A_4, %dma_start3A_5] : memref<10000x128xf32, #tpu.memory_space<hbm>> -> memref<10000x128xf32, #tpu.memory_space<hbm>>
    tpu.enqueue_indirect_dma source(%dma_start3A_6 : memref<10000x128xf32, #tpu.memory_space<hbm>>) target(%arg10 : memref<80x128xf32, #tpu.memory_space<vmem>>) offsets(%dma_start3A_3 : memref<80xi32, #tpu.memory_space<vmem>>) semaphore(%arg16 : memref<!tpu.dma_semaphore, #tpu.memory_space<semaphore_mem>>)
    %dma_start3A_7 = arith.constant 0 : i32
    %dma_start3A_8 = tpu.memref_slice %arg9[%dma_start3A_7] : memref<10000xi32, #tpu.memory_space<vmem>> -> memref<80xi32, #tpu.memory_space<vmem>>
    %dma_start3A_9 = arith.constant 0 : i32
    %dma_start3A_10 = arith.constant 0 : i32
    %dma_start3A_11 = tpu.memref_slice %arg5[%dma_start3A_9, %dma_start3A_10] : memref<10000x128xf32, #tpu.memory_space<hbm>> -> memref<10000x128xf32, #tpu.memory_space<hbm>>
    tpu.enqueue_indirect_dma source(%dma_start3A_11 : memref<10000x128xf32, #tpu.memory_space<hbm>>) target(%arg13 : memref<80x128xf32, #tpu.memory_space<vmem>>) offsets(%dma_start3A_8 : memref<80xi32, #tpu.memory_space<vmem>>) semaphore(%arg19 : memref<!tpu.dma_semaphore, #tpu.memory_space<semaphore_mem>>)
    %dma_start3A_12 = arith.constant 80 : i32
    %dma_start3A_13 = tpu.memref_slice %arg8[%dma_start3A_12] : memref<10000xi32, #tpu.memory_space<vmem>> -> memref<80xi32, #tpu.memory_space<vmem>>
    %dma_start3A_14 = arith.constant 0 : i32
    %dma_start3A_15 = arith.constant 0 : i32
    %dma_start3A_16 = tpu.memref_slice %arg4[%dma_start3A_14, %dma_start3A_15] : memref<10000x128xf32, #tpu.memory_space<hbm>> -> memref<10000x128xf32, #tpu.memory_space<hbm>>
    tpu.enqueue_indirect_dma source(%dma_start3A_16 : memref<10000x128xf32, #tpu.memory_space<hbm>>) target(%arg11 : memref<80x128xf32, #tpu.memory_space<vmem>>) offsets(%dma_start3A_13 : memref<80xi32, #tpu.memory_space<vmem>>) semaphore(%arg17 : memref<!tpu.dma_semaphore, #tpu.memory_space<semaphore_mem>>)
    %dma_start3A_17 = arith.constant 80 : i32
    %dma_start3A_18 = tpu.memref_slice %arg9[%dma_start3A_17] : memref<10000xi32, #tpu.memory_space<vmem>> -> memref<80xi32, #tpu.memory_space<vmem>>
    %dma_start3A_19 = arith.constant 0 : i32
    %dma_start3A_20 = arith.constant 0 : i32
    %dma_start3A_21 = tpu.memref_slice %arg5[%dma_start3A_19, %dma_start3A_20] : memref<10000x128xf32, #tpu.memory_space<hbm>> -> memref<10000x128xf32, #tpu.memory_space<hbm>>
    tpu.enqueue_indirect_dma source(%dma_start3A_21 : memref<10000x128xf32, #tpu.memory_space<hbm>>) target(%arg14 : memref<80x128xf32, #tpu.memory_space<vmem>>) offsets(%dma_start3A_18 : memref<80xi32, #tpu.memory_space<vmem>>) semaphore(%arg20 : memref<!tpu.dma_semaphore, #tpu.memory_space<semaphore_mem>>)
    %dma_start3A_22 = arith.constant 160 : i32
    %dma_start3A_23 = tpu.memref_slice %arg8[%dma_start3A_22] : memref<10000xi32, #tpu.memory_space<vmem>> -> memref<80xi32, #tpu.memory_space<vmem>>
    %dma_start3A_24 = arith.constant 0 : i32
    %dma_start3A_25 = arith.constant 0 : i32
    %dma_start3A_26 = tpu.memref_slice %arg4[%dma_start3A_24, %dma_start3A_25] : memref<10000x128xf32, #tpu.memory_space<hbm>> -> memref<10000x128xf32, #tpu.memory_space<hbm>>
    tpu.enqueue_indirect_dma source(%dma_start3A_26 : memref<10000x128xf32, #tpu.memory_space<hbm>>) target(%arg12 : memref<80x128xf32, #tpu.memory_space<vmem>>) offsets(%dma_start3A_23 : memref<80xi32, #tpu.memory_space<vmem>>) semaphore(%arg18 : memref<!tpu.dma_semaphore, #tpu.memory_space<semaphore_mem>>)
    %dma_start3A_27 = arith.constant 160 : i32
    %dma_start3A_28 = tpu.memref_slice %arg9[%dma_start3A_27] : memref<10000xi32, #tpu.memory_space<vmem>> -> memref<80xi32, #tpu.memory_space<vmem>>
    %dma_start3A_29 = arith.constant 0 : i32
    %dma_start3A_30 = arith.constant 0 : i32
    %dma_start3A_31 = tpu.memref_slice %arg5[%dma_start3A_29, %dma_start3A_30] : memref<10000x128xf32, #tpu.memory_space<hbm>> -> memref<10000x128xf32, #tpu.memory_space<hbm>>
    tpu.enqueue_indirect_dma source(%dma_start3A_31 : memref<10000x128xf32, #tpu.memory_space<hbm>>) target(%arg15 : memref<80x128xf32, #tpu.memory_space<vmem>>) offsets(%dma_start3A_28 : memref<80xi32, #tpu.memory_space<vmem>>) semaphore(%arg21 : memref<!tpu.dma_semaphore, #tpu.memory_space<semaphore_mem>>)
    %scan3A = arith.constant 0 : i32
    %scan3A_32 = arith.constant 0 : i32
    %scan3A_33 = arith.constant 41 : i32
    %scan3A_34 = arith.addi %scan3A_32, %scan3A_33 : i32
    %scan3A_35 = arith.constant 1 : i32
    scf.for %scan3A_104 = %scan3A_32 to %scan3A_34 step %scan3A_35  : i32 {
      %mul3A_105 = arith.constant 3 : i32
      %mul3A_106 = arith.muli %scan3A_104, %mul3A_105 : i32
      %add3A_107 = arith.constant 0 : i32
      %add3A_108 = arith.addi %mul3A_106, %add3A_107 : i32
      %mul3A_109 = arith.constant 80 : i32
      %mul3A_110 = arith.muli %add3A_108, %mul3A_109 : i32
      %dma_wait3A_111 = tpu.memref_slice %arg8[%mul3A_110] : memref<10000xi32, #tpu.memory_space<vmem>> -> memref<80xi32, #tpu.memory_space<vmem>>
      %dma_wait3A_112 = arith.constant 0 : i32
      %dma_wait3A_113 = arith.constant 0 : i32
      %dma_wait3A_114 = tpu.memref_slice %arg4[%dma_wait3A_112, %dma_wait3A_113] : memref<10000x128xf32, #tpu.memory_space<hbm>> -> memref<10000x128xf32, #tpu.memory_space<hbm>>
      tpu.wait_indirect_dma semaphore(%arg16 : memref<!tpu.dma_semaphore, #tpu.memory_space<semaphore_mem>>) src(%dma_wait3A_114 : memref<10000x128xf32, #tpu.memory_space<hbm>>) dst(%arg10 : memref<80x128xf32, #tpu.memory_space<vmem>>)
      %mul3A_115 = arith.constant 80 : i32
      %mul3A_116 = arith.muli %add3A_108, %mul3A_115 : i32
      %dma_wait3A_117 = tpu.memref_slice %arg9[%mul3A_116] : memref<10000xi32, #tpu.memory_space<vmem>> -> memref<80xi32, #tpu.memory_space<vmem>>
      %dma_wait3A_118 = arith.constant 0 : i32
      %dma_wait3A_119 = arith.constant 0 : i32
      %dma_wait3A_120 = tpu.memref_slice %arg5[%dma_wait3A_118, %dma_wait3A_119] : memref<10000x128xf32, #tpu.memory_space<hbm>> -> memref<10000x128xf32, #tpu.memory_space<hbm>>
      tpu.wait_indirect_dma semaphore(%arg19 : memref<!tpu.dma_semaphore, #tpu.memory_space<semaphore_mem>>) src(%dma_wait3A_120 : memref<10000x128xf32, #tpu.memory_space<hbm>>) dst(%arg13 : memref<80x128xf32, #tpu.memory_space<vmem>>)
      %mul3A_121 = arith.constant 80 : i32
      %mul3A_122 = arith.muli %add3A_108, %mul3A_121 : i32
      %add3A_123 = arith.addi %mul3A_2, %mul3A_122 : i32
      %dma_start3A_124 = arith.constant 0 : i32
      %dma_start3A_125 = tpu.memref_slice %arg6[%add3A_123, %dma_start3A_124] : memref<320000x128xf32, #tpu.memory_space<hbm>> -> memref<80x128xf32, #tpu.memory_space<hbm>>
      %dma_start3A_126 = arith.constant 0 : i32
      %dma_start3A_127 = tpu.memref_slice %arg6[%add3A_123, %dma_start3A_126] : memref<320000x128xf32, #tpu.memory_space<hbm>> -> memref<80x128xf32, #tpu.memory_space<hbm>>
      tpu.enqueue_dma source(%arg10 : memref<80x128xf32, #tpu.memory_space<vmem>>) target(%dma_start3A_127 : memref<80x128xf32, #tpu.memory_space<hbm>>) target_semaphore(%arg22 : memref<!tpu.dma_semaphore, #tpu.memory_space<semaphore_mem>>)
      %mul3A_128 = arith.constant 80 : i32
      %mul3A_129 = arith.muli %add3A_108, %mul3A_128 : i32
      %add3A_130 = arith.addi %mul3A_2, %mul3A_129 : i32
      %dma_start3A_131 = arith.constant 0 : i32
      %dma_start3A_132 = tpu.memref_slice %arg7[%add3A_130, %dma_start3A_131] : memref<320000x128xf32, #tpu.memory_space<hbm>> -> memref<80x128xf32, #tpu.memory_space<hbm>>
      %dma_start3A_133 = arith.constant 0 : i32
      %dma_start3A_134 = tpu.memref_slice %arg7[%add3A_130, %dma_start3A_133] : memref<320000x128xf32, #tpu.memory_space<hbm>> -> memref<80x128xf32, #tpu.memory_space<hbm>>
      tpu.enqueue_dma source(%arg13 : memref<80x128xf32, #tpu.memory_space<vmem>>) target(%dma_start3A_134 : memref<80x128xf32, #tpu.memory_space<hbm>>) target_semaphore(%arg25 : memref<!tpu.dma_semaphore, #tpu.memory_space<semaphore_mem>>)
      %add3A_135 = arith.constant 1 : i32
      %add3A_136 = arith.addi %mul3A_106, %add3A_135 : i32
      %mul3A_137 = arith.constant 80 : i32
      %mul3A_138 = arith.muli %add3A_136, %mul3A_137 : i32
      %dma_wait3A_139 = tpu.memref_slice %arg8[%mul3A_138] : memref<10000xi32, #tpu.memory_space<vmem>> -> memref<80xi32, #tpu.memory_space<vmem>>
      %dma_wait3A_140 = arith.constant 0 : i32
      %dma_wait3A_141 = arith.constant 0 : i32
      %dma_wait3A_142 = tpu.memref_slice %arg4[%dma_wait3A_140, %dma_wait3A_141] : memref<10000x128xf32, #tpu.memory_space<hbm>> -> memref<10000x128xf32, #tpu.memory_space<hbm>>
      tpu.wait_indirect_dma semaphore(%arg17 : memref<!tpu.dma_semaphore, #tpu.memory_space<semaphore_mem>>) src(%dma_wait3A_142 : memref<10000x128xf32, #tpu.memory_space<hbm>>) dst(%arg11 : memref<80x128xf32, #tpu.memory_space<vmem>>)
      %mul3A_143 = arith.constant 80 : i32
      %mul3A_144 = arith.muli %add3A_136, %mul3A_143 : i32
      %dma_wait3A_145 = tpu.memref_slice %arg9[%mul3A_144] : memref<10000xi32, #tpu.memory_space<vmem>> -> memref<80xi32, #tpu.memory_space<vmem>>
      %dma_wait3A_146 = arith.constant 0 : i32
      %dma_wait3A_147 = arith.constant 0 : i32
      %dma_wait3A_148 = tpu.memref_slice %arg5[%dma_wait3A_146, %dma_wait3A_147] : memref<10000x128xf32, #tpu.memory_space<hbm>> -> memref<10000x128xf32, #tpu.memory_space<hbm>>
      tpu.wait_indirect_dma semaphore(%arg20 : memref<!tpu.dma_semaphore, #tpu.memory_space<semaphore_mem>>) src(%dma_wait3A_148 : memref<10000x128xf32, #tpu.memory_space<hbm>>) dst(%arg14 : memref<80x128xf32, #tpu.memory_space<vmem>>)
      %mul3A_149 = arith.constant 80 : i32
      %mul3A_150 = arith.muli %add3A_136, %mul3A_149 : i32
      %add3A_151 = arith.addi %mul3A_2, %mul3A_150 : i32
      %dma_start3A_152 = arith.constant 0 : i32
      %dma_start3A_153 = tpu.memref_slice %arg6[%add3A_151, %dma_start3A_152] : memref<320000x128xf32, #tpu.memory_space<hbm>> -> memref<80x128xf32, #tpu.memory_space<hbm>>
      %dma_start3A_154 = arith.constant 0 : i32
      %dma_start3A_155 = tpu.memref_slice %arg6[%add3A_151, %dma_start3A_154] : memref<320000x128xf32, #tpu.memory_space<hbm>> -> memref<80x128xf32, #tpu.memory_space<hbm>>
      tpu.enqueue_dma source(%arg11 : memref<80x128xf32, #tpu.memory_space<vmem>>) target(%dma_start3A_155 : memref<80x128xf32, #tpu.memory_space<hbm>>) target_semaphore(%arg23 : memref<!tpu.dma_semaphore, #tpu.memory_space<semaphore_mem>>)
      %mul3A_156 = arith.constant 80 : i32
      %mul3A_157 = arith.muli %add3A_136, %mul3A_156 : i32
      %add3A_158 = arith.addi %mul3A_2, %mul3A_157 : i32
      %dma_start3A_159 = arith.constant 0 : i32
      %dma_start3A_160 = tpu.memref_slice %arg7[%add3A_158, %dma_start3A_159] : memref<320000x128xf32, #tpu.memory_space<hbm>> -> memref<80x128xf32, #tpu.memory_space<hbm>>
      %dma_start3A_161 = arith.constant 0 : i32
      %dma_start3A_162 = tpu.memref_slice %arg7[%add3A_158, %dma_start3A_161] : memref<320000x128xf32, #tpu.memory_space<hbm>> -> memref<80x128xf32, #tpu.memory_space<hbm>>
      tpu.enqueue_dma source(%arg14 : memref<80x128xf32, #tpu.memory_space<vmem>>) target(%dma_start3A_162 : memref<80x128xf32, #tpu.memory_space<hbm>>) target_semaphore(%arg26 : memref<!tpu.dma_semaphore, #tpu.memory_space<semaphore_mem>>)
      %add3A_163 = arith.constant 2 : i32
      %add3A_164 = arith.addi %mul3A_106, %add3A_163 : i32
      %mul3A_165 = arith.constant 80 : i32
      %mul3A_166 = arith.muli %add3A_164, %mul3A_165 : i32
      %dma_wait3A_167 = tpu.memref_slice %arg8[%mul3A_166] : memref<10000xi32, #tpu.memory_space<vmem>> -> memref<80xi32, #tpu.memory_space<vmem>>
      %dma_wait3A_168 = arith.constant 0 : i32
      %dma_wait3A_169 = arith.constant 0 : i32
      %dma_wait3A_170 = tpu.memref_slice %arg4[%dma_wait3A_168, %dma_wait3A_169] : memref<10000x128xf32, #tpu.memory_space<hbm>> -> memref<10000x128xf32, #tpu.memory_space<hbm>>
      tpu.wait_indirect_dma semaphore(%arg18 : memref<!tpu.dma_semaphore, #tpu.memory_space<semaphore_mem>>) src(%dma_wait3A_170 : memref<10000x128xf32, #tpu.memory_space<hbm>>) dst(%arg12 : memref<80x128xf32, #tpu.memory_space<vmem>>)
      %mul3A_171 = arith.constant 80 : i32
      %mul3A_172 = arith.muli %add3A_164, %mul3A_171 : i32
      %dma_wait3A_173 = tpu.memref_slice %arg9[%mul3A_172] : memref<10000xi32, #tpu.memory_space<vmem>> -> memref<80xi32, #tpu.memory_space<vmem>>
      %dma_wait3A_174 = arith.constant 0 : i32
      %dma_wait3A_175 = arith.constant 0 : i32
      %dma_wait3A_176 = tpu.memref_slice %arg5[%dma_wait3A_174, %dma_wait3A_175] : memref<10000x128xf32, #tpu.memory_space<hbm>> -> memref<10000x128xf32, #tpu.memory_space<hbm>>
      tpu.wait_indirect_dma semaphore(%arg21 : memref<!tpu.dma_semaphore, #tpu.memory_space<semaphore_mem>>) src(%dma_wait3A_176 : memref<10000x128xf32, #tpu.memory_space<hbm>>) dst(%arg15 : memref<80x128xf32, #tpu.memory_space<vmem>>)
      %mul3A_177 = arith.constant 80 : i32
      %mul3A_178 = arith.muli %add3A_164, %mul3A_177 : i32
      %add3A_179 = arith.addi %mul3A_2, %mul3A_178 : i32
      %dma_start3A_180 = arith.constant 0 : i32
      %dma_start3A_181 = tpu.memref_slice %arg6[%add3A_179, %dma_start3A_180] : memref<320000x128xf32, #tpu.memory_space<hbm>> -> memref<80x128xf32, #tpu.memory_space<hbm>>
      %dma_start3A_182 = arith.constant 0 : i32
      %dma_start3A_183 = tpu.memref_slice %arg6[%add3A_179, %dma_start3A_182] : memref<320000x128xf32, #tpu.memory_space<hbm>> -> memref<80x128xf32, #tpu.memory_space<hbm>>
      tpu.enqueue_dma source(%arg12 : memref<80x128xf32, #tpu.memory_space<vmem>>) target(%dma_start3A_183 : memref<80x128xf32, #tpu.memory_space<hbm>>) target_semaphore(%arg24 : memref<!tpu.dma_semaphore, #tpu.memory_space<semaphore_mem>>)
      %mul3A_184 = arith.constant 80 : i32
      %mul3A_185 = arith.muli %add3A_164, %mul3A_184 : i32
      %add3A_186 = arith.addi %mul3A_2, %mul3A_185 : i32
      %dma_start3A_187 = arith.constant 0 : i32
      %dma_start3A_188 = tpu.memref_slice %arg7[%add3A_186, %dma_start3A_187] : memref<320000x128xf32, #tpu.memory_space<hbm>> -> memref<80x128xf32, #tpu.memory_space<hbm>>
      %dma_start3A_189 = arith.constant 0 : i32
      %dma_start3A_190 = tpu.memref_slice %arg7[%add3A_186, %dma_start3A_189] : memref<320000x128xf32, #tpu.memory_space<hbm>> -> memref<80x128xf32, #tpu.memory_space<hbm>>
      tpu.enqueue_dma source(%arg15 : memref<80x128xf32, #tpu.memory_space<vmem>>) target(%dma_start3A_190 : memref<80x128xf32, #tpu.memory_space<hbm>>) target_semaphore(%arg27 : memref<!tpu.dma_semaphore, #tpu.memory_space<semaphore_mem>>)
      %add3A_191 = arith.constant 3 : i32
      %add3A_192 = arith.addi %mul3A_106, %add3A_191 : i32
      %add3A_193 = arith.constant 0 : i32
      %add3A_194 = arith.addi %add3A_192, %add3A_193 : i32
      %lt3A = arith.constant 125 : i32
      %lt3A_195 = arith.cmpi slt, %add3A_194, %lt3A : i32
      %convert_element_type3A = arith.extui %lt3A_195 : i1 to i32
      %cond3A = arith.constant 0 : i32
      %cond3A_196 = arith.cmpi ne, %convert_element_type3A, %cond3A : i32
      scf.if %cond3A_196 {
        %sub3A = arith.constant 3 : i32
        %sub3A_215 = arith.subi %add3A_194, %sub3A : i32
        %mul3A_216 = arith.constant 80 : i32
        %mul3A_217 = arith.muli %sub3A_215, %mul3A_216 : i32
        %add3A_218 = arith.addi %mul3A_2, %mul3A_217 : i32
        %dma_wait3A_219 = arith.constant 0 : i32
        %dma_wait3A_220 = tpu.memref_slice %arg6[%add3A_218, %dma_wait3A_219] : memref<320000x128xf32, #tpu.memory_space<hbm>> -> memref<80x128xf32, #tpu.memory_space<hbm>>
        %dma_wait3A_221 = arith.constant 0 : i32
        %dma_wait3A_222 = tpu.memref_slice %arg6[%add3A_218, %dma_wait3A_221] : memref<320000x128xf32, #tpu.memory_space<hbm>> -> memref<80x128xf32, #tpu.memory_space<hbm>>
        tpu.wait_dma2 semaphore(%arg22 : memref<!tpu.dma_semaphore, #tpu.memory_space<semaphore_mem>>) src(%arg10 : memref<80x128xf32, #tpu.memory_space<vmem>>) dst(%dma_wait3A_222 : memref<80x128xf32, #tpu.memory_space<hbm>>)
        %sub3A_223 = arith.constant 3 : i32
        %sub3A_224 = arith.subi %add3A_194, %sub3A_223 : i32
        %mul3A_225 = arith.constant 80 : i32
        %mul3A_226 = arith.muli %sub3A_224, %mul3A_225 : i32
        %add3A_227 = arith.addi %mul3A_2, %mul3A_226 : i32
        %dma_wait3A_228 = arith.constant 0 : i32
        %dma_wait3A_229 = tpu.memref_slice %arg7[%add3A_227, %dma_wait3A_228] : memref<320000x128xf32, #tpu.memory_space<hbm>> -> memref<80x128xf32, #tpu.memory_space<hbm>>
        %dma_wait3A_230 = arith.constant 0 : i32
        %dma_wait3A_231 = tpu.memref_slice %arg7[%add3A_227, %dma_wait3A_230] : memref<320000x128xf32, #tpu.memory_space<hbm>> -> memref<80x128xf32, #tpu.memory_space<hbm>>
        tpu.wait_dma2 semaphore(%arg25 : memref<!tpu.dma_semaphore, #tpu.memory_space<semaphore_mem>>) src(%arg13 : memref<80x128xf32, #tpu.memory_space<vmem>>) dst(%dma_wait3A_231 : memref<80x128xf32, #tpu.memory_space<hbm>>)
        %mul3A_232 = arith.constant 80 : i32
        %mul3A_233 = arith.muli %add3A_194, %mul3A_232 : i32
        %dma_start3A_234 = tpu.memref_slice %arg8[%mul3A_233] : memref<10000xi32, #tpu.memory_space<vmem>> -> memref<80xi32, #tpu.memory_space<vmem>>
        %dma_start3A_235 = arith.constant 0 : i32
        %dma_start3A_236 = arith.constant 0 : i32
        %dma_start3A_237 = tpu.memref_slice %arg4[%dma_start3A_235, %dma_start3A_236] : memref<10000x128xf32, #tpu.memory_space<hbm>> -> memref<10000x128xf32, #tpu.memory_space<hbm>>
        tpu.enqueue_indirect_dma source(%dma_start3A_237 : memref<10000x128xf32, #tpu.memory_space<hbm>>) target(%arg10 : memref<80x128xf32, #tpu.memory_space<vmem>>) offsets(%dma_start3A_234 : memref<80xi32, #tpu.memory_space<vmem>>) semaphore(%arg16 : memref<!tpu.dma_semaphore, #tpu.memory_space<semaphore_mem>>)
        %mul3A_238 = arith.constant 80 : i32
        %mul3A_239 = arith.muli %add3A_194, %mul3A_238 : i32
        %dma_start3A_240 = tpu.memref_slice %arg9[%mul3A_239] : memref<10000xi32, #tpu.memory_space<vmem>> -> memref<80xi32, #tpu.memory_space<vmem>>
        %dma_start3A_241 = arith.constant 0 : i32
        %dma_start3A_242 = arith.constant 0 : i32
        %dma_start3A_243 = tpu.memref_slice %arg5[%dma_start3A_241, %dma_start3A_242] : memref<10000x128xf32, #tpu.memory_space<hbm>> -> memref<10000x128xf32, #tpu.memory_space<hbm>>
        tpu.enqueue_indirect_dma source(%dma_start3A_243 : memref<10000x128xf32, #tpu.memory_space<hbm>>) target(%arg13 : memref<80x128xf32, #tpu.memory_space<vmem>>) offsets(%dma_start3A_240 : memref<80xi32, #tpu.memory_space<vmem>>) semaphore(%arg19 : memref<!tpu.dma_semaphore, #tpu.memory_space<semaphore_mem>>)
      } else {
      }
      %add3A_197 = arith.constant 3 : i32
      %add3A_198 = arith.addi %mul3A_106, %add3A_197 : i32
      %add3A_199 = arith.constant 1 : i32
      %add3A_200 = arith.addi %add3A_198, %add3A_199 : i32
      %lt3A_201 = arith.constant 125 : i32
      %lt3A_202 = arith.cmpi slt, %add3A_200, %lt3A_201 : i32
      %convert_element_type3A_203 = arith.extui %lt3A_202 : i1 to i32
      %cond3A_204 = arith.constant 0 : i32
      %cond3A_205 = arith.cmpi ne, %convert_element_type3A_203, %cond3A_204 : i32
      scf.if %cond3A_205 {
        %sub3A = arith.constant 3 : i32
        %sub3A_215 = arith.subi %add3A_200, %sub3A : i32
        %mul3A_216 = arith.constant 80 : i32
        %mul3A_217 = arith.muli %sub3A_215, %mul3A_216 : i32
        %add3A_218 = arith.addi %mul3A_2, %mul3A_217 : i32
        %dma_wait3A_219 = arith.constant 0 : i32
        %dma_wait3A_220 = tpu.memref_slice %arg6[%add3A_218, %dma_wait3A_219] : memref<320000x128xf32, #tpu.memory_space<hbm>> -> memref<80x128xf32, #tpu.memory_space<hbm>>
        %dma_wait3A_221 = arith.constant 0 : i32
        %dma_wait3A_222 = tpu.memref_slice %arg6[%add3A_218, %dma_wait3A_221] : memref<320000x128xf32, #tpu.memory_space<hbm>> -> memref<80x128xf32, #tpu.memory_space<hbm>>
        tpu.wait_dma2 semaphore(%arg23 : memref<!tpu.dma_semaphore, #tpu.memory_space<semaphore_mem>>) src(%arg11 : memref<80x128xf32, #tpu.memory_space<vmem>>) dst(%dma_wait3A_222 : memref<80x128xf32, #tpu.memory_space<hbm>>)
        %sub3A_223 = arith.constant 3 : i32
        %sub3A_224 = arith.subi %add3A_200, %sub3A_223 : i32
        %mul3A_225 = arith.constant 80 : i32
        %mul3A_226 = arith.muli %sub3A_224, %mul3A_225 : i32
        %add3A_227 = arith.addi %mul3A_2, %mul3A_226 : i32
        %dma_wait3A_228 = arith.constant 0 : i32
        %dma_wait3A_229 = tpu.memref_slice %arg7[%add3A_227, %dma_wait3A_228] : memref<320000x128xf32, #tpu.memory_space<hbm>> -> memref<80x128xf32, #tpu.memory_space<hbm>>
        %dma_wait3A_230 = arith.constant 0 : i32
        %dma_wait3A_231 = tpu.memref_slice %arg7[%add3A_227, %dma_wait3A_230] : memref<320000x128xf32, #tpu.memory_space<hbm>> -> memref<80x128xf32, #tpu.memory_space<hbm>>
        tpu.wait_dma2 semaphore(%arg26 : memref<!tpu.dma_semaphore, #tpu.memory_space<semaphore_mem>>) src(%arg14 : memref<80x128xf32, #tpu.memory_space<vmem>>) dst(%dma_wait3A_231 : memref<80x128xf32, #tpu.memory_space<hbm>>)
        %mul3A_232 = arith.constant 80 : i32
        %mul3A_233 = arith.muli %add3A_200, %mul3A_232 : i32
        %dma_start3A_234 = tpu.memref_slice %arg8[%mul3A_233] : memref<10000xi32, #tpu.memory_space<vmem>> -> memref<80xi32, #tpu.memory_space<vmem>>
        %dma_start3A_235 = arith.constant 0 : i32
        %dma_start3A_236 = arith.constant 0 : i32
        %dma_start3A_237 = tpu.memref_slice %arg4[%dma_start3A_235, %dma_start3A_236] : memref<10000x128xf32, #tpu.memory_space<hbm>> -> memref<10000x128xf32, #tpu.memory_space<hbm>>
        tpu.enqueue_indirect_dma source(%dma_start3A_237 : memref<10000x128xf32, #tpu.memory_space<hbm>>) target(%arg11 : memref<80x128xf32, #tpu.memory_space<vmem>>) offsets(%dma_start3A_234 : memref<80xi32, #tpu.memory_space<vmem>>) semaphore(%arg17 : memref<!tpu.dma_semaphore, #tpu.memory_space<semaphore_mem>>)
        %mul3A_238 = arith.constant 80 : i32
        %mul3A_239 = arith.muli %add3A_200, %mul3A_238 : i32
        %dma_start3A_240 = tpu.memref_slice %arg9[%mul3A_239] : memref<10000xi32, #tpu.memory_space<vmem>> -> memref<80xi32, #tpu.memory_space<vmem>>
        %dma_start3A_241 = arith.constant 0 : i32
        %dma_start3A_242 = arith.constant 0 : i32
        %dma_start3A_243 = tpu.memref_slice %arg5[%dma_start3A_241, %dma_start3A_242] : memref<10000x128xf32, #tpu.memory_space<hbm>> -> memref<10000x128xf32, #tpu.memory_space<hbm>>
        tpu.enqueue_indirect_dma source(%dma_start3A_243 : memref<10000x128xf32, #tpu.memory_space<hbm>>) target(%arg14 : memref<80x128xf32, #tpu.memory_space<vmem>>) offsets(%dma_start3A_240 : memref<80xi32, #tpu.memory_space<vmem>>) semaphore(%arg20 : memref<!tpu.dma_semaphore, #tpu.memory_space<semaphore_mem>>)
      } else {
      }
      %add3A_206 = arith.constant 3 : i32
      %add3A_207 = arith.addi %mul3A_106, %add3A_206 : i32
      %add3A_208 = arith.constant 2 : i32
      %add3A_209 = arith.addi %add3A_207, %add3A_208 : i32
      %lt3A_210 = arith.constant 125 : i32
      %lt3A_211 = arith.cmpi slt, %add3A_209, %lt3A_210 : i32
      %convert_element_type3A_212 = arith.extui %lt3A_211 : i1 to i32
      %cond3A_213 = arith.constant 0 : i32
      %cond3A_214 = arith.cmpi ne, %convert_element_type3A_212, %cond3A_213 : i32
      scf.if %cond3A_214 {
        %sub3A = arith.constant 3 : i32
        %sub3A_215 = arith.subi %add3A_209, %sub3A : i32
        %mul3A_216 = arith.constant 80 : i32
        %mul3A_217 = arith.muli %sub3A_215, %mul3A_216 : i32
        %add3A_218 = arith.addi %mul3A_2, %mul3A_217 : i32
        %dma_wait3A_219 = arith.constant 0 : i32
        %dma_wait3A_220 = tpu.memref_slice %arg6[%add3A_218, %dma_wait3A_219] : memref<320000x128xf32, #tpu.memory_space<hbm>> -> memref<80x128xf32, #tpu.memory_space<hbm>>
        %dma_wait3A_221 = arith.constant 0 : i32
        %dma_wait3A_222 = tpu.memref_slice %arg6[%add3A_218, %dma_wait3A_221] : memref<320000x128xf32, #tpu.memory_space<hbm>> -> memref<80x128xf32, #tpu.memory_space<hbm>>
        tpu.wait_dma2 semaphore(%arg24 : memref<!tpu.dma_semaphore, #tpu.memory_space<semaphore_mem>>) src(%arg12 : memref<80x128xf32, #tpu.memory_space<vmem>>) dst(%dma_wait3A_222 : memref<80x128xf32, #tpu.memory_space<hbm>>)
        %sub3A_223 = arith.constant 3 : i32
        %sub3A_224 = arith.subi %add3A_209, %sub3A_223 : i32
        %mul3A_225 = arith.constant 80 : i32
        %mul3A_226 = arith.muli %sub3A_224, %mul3A_225 : i32
        %add3A_227 = arith.addi %mul3A_2, %mul3A_226 : i32
        %dma_wait3A_228 = arith.constant 0 : i32
        %dma_wait3A_229 = tpu.memref_slice %arg7[%add3A_227, %dma_wait3A_228] : memref<320000x128xf32, #tpu.memory_space<hbm>> -> memref<80x128xf32, #tpu.memory_space<hbm>>
        %dma_wait3A_230 = arith.constant 0 : i32
        %dma_wait3A_231 = tpu.memref_slice %arg7[%add3A_227, %dma_wait3A_230] : memref<320000x128xf32, #tpu.memory_space<hbm>> -> memref<80x128xf32, #tpu.memory_space<hbm>>
        tpu.wait_dma2 semaphore(%arg27 : memref<!tpu.dma_semaphore, #tpu.memory_space<semaphore_mem>>) src(%arg15 : memref<80x128xf32, #tpu.memory_space<vmem>>) dst(%dma_wait3A_231 : memref<80x128xf32, #tpu.memory_space<hbm>>)
        %mul3A_232 = arith.constant 80 : i32
        %mul3A_233 = arith.muli %add3A_209, %mul3A_232 : i32
        %dma_start3A_234 = tpu.memref_slice %arg8[%mul3A_233] : memref<10000xi32, #tpu.memory_space<vmem>> -> memref<80xi32, #tpu.memory_space<vmem>>
        %dma_start3A_235 = arith.constant 0 : i32
        %dma_start3A_236 = arith.constant 0 : i32
        %dma_start3A_237 = tpu.memref_slice %arg4[%dma_start3A_235, %dma_start3A_236] : memref<10000x128xf32, #tpu.memory_space<hbm>> -> memref<10000x128xf32, #tpu.memory_space<hbm>>
        tpu.enqueue_indirect_dma source(%dma_start3A_237 : memref<10000x128xf32, #tpu.memory_space<hbm>>) target(%arg12 : memref<80x128xf32, #tpu.memory_space<vmem>>) offsets(%dma_start3A_234 : memref<80xi32, #tpu.memory_space<vmem>>) semaphore(%arg18 : memref<!tpu.dma_semaphore, #tpu.memory_space<semaphore_mem>>)
        %mul3A_238 = arith.constant 80 : i32
        %mul3A_239 = arith.muli %add3A_209, %mul3A_238 : i32
        %dma_start3A_240 = tpu.memref_slice %arg9[%mul3A_239] : memref<10000xi32, #tpu.memory_space<vmem>> -> memref<80xi32, #tpu.memory_space<vmem>>
        %dma_start3A_241 = arith.constant 0 : i32
        %dma_start3A_242 = arith.constant 0 : i32
        %dma_start3A_243 = tpu.memref_slice %arg5[%dma_start3A_241, %dma_start3A_242] : memref<10000x128xf32, #tpu.memory_space<hbm>> -> memref<10000x128xf32, #tpu.memory_space<hbm>>
        tpu.enqueue_indirect_dma source(%dma_start3A_243 : memref<10000x128xf32, #tpu.memory_space<hbm>>) target(%arg15 : memref<80x128xf32, #tpu.memory_space<vmem>>) offsets(%dma_start3A_240 : memref<80xi32, #tpu.memory_space<vmem>>) semaphore(%arg21 : memref<!tpu.dma_semaphore, #tpu.memory_space<semaphore_mem>>)
      } else {
      }
    }
    %scan3A_36 = arith.constant 41 : i32
    %dma_wait3A = arith.constant 9840 : i32
    %dma_wait3A_37 = tpu.memref_slice %arg8[%dma_wait3A] : memref<10000xi32, #tpu.memory_space<vmem>> -> memref<80xi32, #tpu.memory_space<vmem>>
    %dma_wait3A_38 = arith.constant 0 : i32
    %dma_wait3A_39 = arith.constant 0 : i32
    %dma_wait3A_40 = tpu.memref_slice %arg4[%dma_wait3A_38, %dma_wait3A_39] : memref<10000x128xf32, #tpu.memory_space<hbm>> -> memref<10000x128xf32, #tpu.memory_space<hbm>>
    tpu.wait_indirect_dma semaphore(%arg16 : memref<!tpu.dma_semaphore, #tpu.memory_space<semaphore_mem>>) src(%dma_wait3A_40 : memref<10000x128xf32, #tpu.memory_space<hbm>>) dst(%arg10 : memref<80x128xf32, #tpu.memory_space<vmem>>)
    %dma_wait3A_41 = arith.constant 9840 : i32
    %dma_wait3A_42 = tpu.memref_slice %arg9[%dma_wait3A_41] : memref<10000xi32, #tpu.memory_space<vmem>> -> memref<80xi32, #tpu.memory_space<vmem>>
    %dma_wait3A_43 = arith.constant 0 : i32
    %dma_wait3A_44 = arith.constant 0 : i32
    %dma_wait3A_45 = tpu.memref_slice %arg5[%dma_wait3A_43, %dma_wait3A_44] : memref<10000x128xf32, #tpu.memory_space<hbm>> -> memref<10000x128xf32, #tpu.memory_space<hbm>>
    tpu.wait_indirect_dma semaphore(%arg19 : memref<!tpu.dma_semaphore, #tpu.memory_space<semaphore_mem>>) src(%dma_wait3A_45 : memref<10000x128xf32, #tpu.memory_space<hbm>>) dst(%arg13 : memref<80x128xf32, #tpu.memory_space<vmem>>)
    %add3A_46 = arith.constant 9840 : i32
    %add3A_47 = arith.addi %mul3A_2, %add3A_46 : i32
    %dma_start3A_48 = arith.constant 0 : i32
    %dma_start3A_49 = tpu.memref_slice %arg6[%add3A_47, %dma_start3A_48] : memref<320000x128xf32, #tpu.memory_space<hbm>> -> memref<80x128xf32, #tpu.memory_space<hbm>>
    %dma_start3A_50 = arith.constant 0 : i32
    %dma_start3A_51 = tpu.memref_slice %arg6[%add3A_47, %dma_start3A_50] : memref<320000x128xf32, #tpu.memory_space<hbm>> -> memref<80x128xf32, #tpu.memory_space<hbm>>
    tpu.enqueue_dma source(%arg10 : memref<80x128xf32, #tpu.memory_space<vmem>>) target(%dma_start3A_51 : memref<80x128xf32, #tpu.memory_space<hbm>>) target_semaphore(%arg22 : memref<!tpu.dma_semaphore, #tpu.memory_space<semaphore_mem>>)
    %add3A_52 = arith.constant 9840 : i32
    %add3A_53 = arith.addi %mul3A_2, %add3A_52 : i32
    %dma_start3A_54 = arith.constant 0 : i32
    %dma_start3A_55 = tpu.memref_slice %arg7[%add3A_53, %dma_start3A_54] : memref<320000x128xf32, #tpu.memory_space<hbm>> -> memref<80x128xf32, #tpu.memory_space<hbm>>
    %dma_start3A_56 = arith.constant 0 : i32
    %dma_start3A_57 = tpu.memref_slice %arg7[%add3A_53, %dma_start3A_56] : memref<320000x128xf32, #tpu.memory_space<hbm>> -> memref<80x128xf32, #tpu.memory_space<hbm>>
    tpu.enqueue_dma source(%arg13 : memref<80x128xf32, #tpu.memory_space<vmem>>) target(%dma_start3A_57 : memref<80x128xf32, #tpu.memory_space<hbm>>) target_semaphore(%arg25 : memref<!tpu.dma_semaphore, #tpu.memory_space<semaphore_mem>>)
    %dma_wait3A_58 = arith.constant 9920 : i32
    %dma_wait3A_59 = tpu.memref_slice %arg8[%dma_wait3A_58] : memref<10000xi32, #tpu.memory_space<vmem>> -> memref<80xi32, #tpu.memory_space<vmem>>
    %dma_wait3A_60 = arith.constant 0 : i32
    %dma_wait3A_61 = arith.constant 0 : i32
    %dma_wait3A_62 = tpu.memref_slice %arg4[%dma_wait3A_60, %dma_wait3A_61] : memref<10000x128xf32, #tpu.memory_space<hbm>> -> memref<10000x128xf32, #tpu.memory_space<hbm>>
    tpu.wait_indirect_dma semaphore(%arg17 : memref<!tpu.dma_semaphore, #tpu.memory_space<semaphore_mem>>) src(%dma_wait3A_62 : memref<10000x128xf32, #tpu.memory_space<hbm>>) dst(%arg11 : memref<80x128xf32, #tpu.memory_space<vmem>>)
    %dma_wait3A_63 = arith.constant 9920 : i32
    %dma_wait3A_64 = tpu.memref_slice %arg9[%dma_wait3A_63] : memref<10000xi32, #tpu.memory_space<vmem>> -> memref<80xi32, #tpu.memory_space<vmem>>
    %dma_wait3A_65 = arith.constant 0 : i32
    %dma_wait3A_66 = arith.constant 0 : i32
    %dma_wait3A_67 = tpu.memref_slice %arg5[%dma_wait3A_65, %dma_wait3A_66] : memref<10000x128xf32, #tpu.memory_space<hbm>> -> memref<10000x128xf32, #tpu.memory_space<hbm>>
    tpu.wait_indirect_dma semaphore(%arg20 : memref<!tpu.dma_semaphore, #tpu.memory_space<semaphore_mem>>) src(%dma_wait3A_67 : memref<10000x128xf32, #tpu.memory_space<hbm>>) dst(%arg14 : memref<80x128xf32, #tpu.memory_space<vmem>>)
    %add3A_68 = arith.constant 9920 : i32
    %add3A_69 = arith.addi %mul3A_2, %add3A_68 : i32
    %dma_start3A_70 = arith.constant 0 : i32
    %dma_start3A_71 = tpu.memref_slice %arg6[%add3A_69, %dma_start3A_70] : memref<320000x128xf32, #tpu.memory_space<hbm>> -> memref<80x128xf32, #tpu.memory_space<hbm>>
    %dma_start3A_72 = arith.constant 0 : i32
    %dma_start3A_73 = tpu.memref_slice %arg6[%add3A_69, %dma_start3A_72] : memref<320000x128xf32, #tpu.memory_space<hbm>> -> memref<80x128xf32, #tpu.memory_space<hbm>>
    tpu.enqueue_dma source(%arg11 : memref<80x128xf32, #tpu.memory_space<vmem>>) target(%dma_start3A_73 : memref<80x128xf32, #tpu.memory_space<hbm>>) target_semaphore(%arg23 : memref<!tpu.dma_semaphore, #tpu.memory_space<semaphore_mem>>)
    %add3A_74 = arith.constant 9920 : i32
    %add3A_75 = arith.addi %mul3A_2, %add3A_74 : i32
    %dma_start3A_76 = arith.constant 0 : i32
    %dma_start3A_77 = tpu.memref_slice %arg7[%add3A_75, %dma_start3A_76] : memref<320000x128xf32, #tpu.memory_space<hbm>> -> memref<80x128xf32, #tpu.memory_space<hbm>>
    %dma_start3A_78 = arith.constant 0 : i32
    %dma_start3A_79 = tpu.memref_slice %arg7[%add3A_75, %dma_start3A_78] : memref<320000x128xf32, #tpu.memory_space<hbm>> -> memref<80x128xf32, #tpu.memory_space<hbm>>
    tpu.enqueue_dma source(%arg14 : memref<80x128xf32, #tpu.memory_space<vmem>>) target(%dma_start3A_79 : memref<80x128xf32, #tpu.memory_space<hbm>>) target_semaphore(%arg26 : memref<!tpu.dma_semaphore, #tpu.memory_space<semaphore_mem>>)
    %dma_wait3A_80 = arith.constant 0 : i32
    %dma_wait3A_81 = tpu.memref_slice %arg6[%mul3A_2, %dma_wait3A_80] : memref<320000x128xf32, #tpu.memory_space<hbm>> -> memref<80x128xf32, #tpu.memory_space<hbm>>
    %dma_wait3A_82 = arith.constant 0 : i32
    %dma_wait3A_83 = tpu.memref_slice %arg6[%mul3A_2, %dma_wait3A_82] : memref<320000x128xf32, #tpu.memory_space<hbm>> -> memref<80x128xf32, #tpu.memory_space<hbm>>
    tpu.wait_dma2 semaphore(%arg22 : memref<!tpu.dma_semaphore, #tpu.memory_space<semaphore_mem>>) src(%arg10 : memref<80x128xf32, #tpu.memory_space<vmem>>) dst(%dma_wait3A_83 : memref<80x128xf32, #tpu.memory_space<hbm>>)
    %dma_wait3A_84 = arith.constant 0 : i32
    %dma_wait3A_85 = tpu.memref_slice %arg7[%mul3A_2, %dma_wait3A_84] : memref<320000x128xf32, #tpu.memory_space<hbm>> -> memref<80x128xf32, #tpu.memory_space<hbm>>
    %dma_wait3A_86 = arith.constant 0 : i32
    %dma_wait3A_87 = tpu.memref_slice %arg7[%mul3A_2, %dma_wait3A_86] : memref<320000x128xf32, #tpu.memory_space<hbm>> -> memref<80x128xf32, #tpu.memory_space<hbm>>
    tpu.wait_dma2 semaphore(%arg25 : memref<!tpu.dma_semaphore, #tpu.memory_space<semaphore_mem>>) src(%arg13 : memref<80x128xf32, #tpu.memory_space<vmem>>) dst(%dma_wait3A_87 : memref<80x128xf32, #tpu.memory_space<hbm>>)
    %dma_wait3A_88 = arith.constant 0 : i32
    %dma_wait3A_89 = tpu.memref_slice %arg6[%mul3A_2, %dma_wait3A_88] : memref<320000x128xf32, #tpu.memory_space<hbm>> -> memref<80x128xf32, #tpu.memory_space<hbm>>
    %dma_wait3A_90 = arith.constant 0 : i32
    %dma_wait3A_91 = tpu.memref_slice %arg6[%mul3A_2, %dma_wait3A_90] : memref<320000x128xf32, #tpu.memory_space<hbm>> -> memref<80x128xf32, #tpu.memory_space<hbm>>
    tpu.wait_dma2 semaphore(%arg23 : memref<!tpu.dma_semaphore, #tpu.memory_space<semaphore_mem>>) src(%arg11 : memref<80x128xf32, #tpu.memory_space<vmem>>) dst(%dma_wait3A_91 : memref<80x128xf32, #tpu.memory_space<hbm>>)
    %dma_wait3A_92 = arith.constant 0 : i32
    %dma_wait3A_93 = tpu.memref_slice %arg7[%mul3A_2, %dma_wait3A_92] : memref<320000x128xf32, #tpu.memory_space<hbm>> -> memref<80x128xf32, #tpu.memory_space<hbm>>
    %dma_wait3A_94 = arith.constant 0 : i32
    %dma_wait3A_95 = tpu.memref_slice %arg7[%mul3A_2, %dma_wait3A_94] : memref<320000x128xf32, #tpu.memory_space<hbm>> -> memref<80x128xf32, #tpu.memory_space<hbm>>
    tpu.wait_dma2 semaphore(%arg26 : memref<!tpu.dma_semaphore, #tpu.memory_space<semaphore_mem>>) src(%arg14 : memref<80x128xf32, #tpu.memory_space<vmem>>) dst(%dma_wait3A_95 : memref<80x128xf32, #tpu.memory_space<hbm>>)
    %dma_wait3A_96 = arith.constant 0 : i32
    %dma_wait3A_97 = tpu.memref_slice %arg6[%mul3A_2, %dma_wait3A_96] : memref<320000x128xf32, #tpu.memory_space<hbm>> -> memref<80x128xf32, #tpu.memory_space<hbm>>
    %dma_wait3A_98 = arith.constant 0 : i32
    %dma_wait3A_99 = tpu.memref_slice %arg6[%mul3A_2, %dma_wait3A_98] : memref<320000x128xf32, #tpu.memory_space<hbm>> -> memref<80x128xf32, #tpu.memory_space<hbm>>
    tpu.wait_dma2 semaphore(%arg24 : memref<!tpu.dma_semaphore, #tpu.memory_space<semaphore_mem>>) src(%arg12 : memref<80x128xf32, #tpu.memory_space<vmem>>) dst(%dma_wait3A_99 : memref<80x128xf32, #tpu.memory_space<hbm>>)
    %dma_wait3A_100 = arith.constant 0 : i32
    %dma_wait3A_101 = tpu.memref_slice %arg7[%mul3A_2, %dma_wait3A_100] : memref<320000x128xf32, #tpu.memory_space<hbm>> -> memref<80x128xf32, #tpu.memory_space<hbm>>
    %dma_wait3A_102 = arith.constant 0 : i32
    %dma_wait3A_103 = tpu.memref_slice %arg7[%mul3A_2, %dma_wait3A_102] : memref<320000x128xf32, #tpu.memory_space<hbm>> -> memref<80x128xf32, #tpu.memory_space<hbm>>
    tpu.wait_dma2 semaphore(%arg27 : memref<!tpu.dma_semaphore, #tpu.memory_space<semaphore_mem>>) src(%arg15 : memref<80x128xf32, #tpu.memory_space<vmem>>) dst(%dma_wait3A_103 : memref<80x128xf32, #tpu.memory_space<hbm>>)
    return
  }
}

#map = affine_map<(d0, d1) -> (0, 0, 0)>
#map1 = affine_map<(d0, d1) -> (0, 0)>
module attributes {stable_mosaic.version = 14 : i64} {
  func.func @scatter_k(%arg0: i32, %arg1: i32, %arg2: memref<32x250x40xi32, #tpu.memory_space<hbm>>, %arg3: memref<320000x16xf32, #tpu.memory_space<hbm>>, %arg4: memref<10000x16xf32, #tpu.memory_space<hbm>>, %arg5: memref<2x10000x16xf32, #tpu.memory_space<hbm>>, %arg6: memref<250x40xi32, #tpu.memory_space<vmem>>, %arg7: memref<40x16xf32, #tpu.memory_space<vmem>>, %arg8: memref<40x16xf32, #tpu.memory_space<vmem>>, %arg9: memref<!tpu.dma_semaphore, #tpu.memory_space<semaphore_mem>>, %arg10: memref<!tpu.dma_semaphore, #tpu.memory_space<semaphore_mem>>, %arg11: memref<!tpu.dma_semaphore, #tpu.memory_space<semaphore_mem>>, %arg12: memref<!tpu.dma_semaphore, #tpu.memory_space<semaphore_mem>>, %arg13: memref<10000x16xf32, #tpu.memory_space<vmem_shared>>) attributes {dimension_semantics = [#tpu.dimension_semantics<core_parallel>, #tpu.dimension_semantics<subcore_parallel>], iteration_bounds = array<i64: 2, 16>, scalar_prefetch = 0 : i64, scratch_operands = 8 : i64, tpu.core_type = #tpu.core_type<sc_vector_subcore>, window_params = [{transform_indices = #map}, {transform_indices = #map1}, {transform_indices = #map1}, {transform_indices = #map}]} {
    %mul3A = arith.constant 2 : i32
    %mul3A_0 = arith.muli %arg1, %mul3A : i32
    %add3A = arith.addi %mul3A_0, %arg0 : i32
    %mul3A_1 = arith.constant 10000 : i32
    %mul3A_2 = arith.muli %add3A, %mul3A_1 : i32
    "tpu.region"() ({
      %run_scoped3A = tpu.sem_alloc : memref<!tpu.dma_semaphore, #tpu.memory_space<semaphore_mem>>
      %dma_start3A_42 = arith.constant 0 : i32
      %dma_start3A_43 = arith.constant 0 : i32
      %dma_start3A_44 = tpu.memref_slice %arg2[%add3A, %dma_start3A_42, %dma_start3A_43] : memref<32x250x40xi32, #tpu.memory_space<hbm>> -> memref<1x250x40xi32, #tpu.memory_space<hbm>>
      %dma_start3A_45 = tpu.memref_squeeze %dma_start3A_44 : memref<1x250x40xi32, #tpu.memory_space<hbm>> -> memref<250x40xi32, #tpu.memory_space<hbm>>
      %dma_start3A_46 = arith.constant 0 : i32
      %dma_start3A_47 = arith.constant 0 : i32
      %dma_start3A_48 = tpu.memref_slice %arg2[%add3A, %dma_start3A_46, %dma_start3A_47] : memref<32x250x40xi32, #tpu.memory_space<hbm>> -> memref<1x250x40xi32, #tpu.memory_space<hbm>>
      %dma_start3A_49 = tpu.memref_squeeze %dma_start3A_48 : memref<1x250x40xi32, #tpu.memory_space<hbm>> -> memref<250x40xi32, #tpu.memory_space<hbm>>
      tpu.enqueue_dma source(%dma_start3A_49 : memref<250x40xi32, #tpu.memory_space<hbm>>) target(%arg6 : memref<250x40xi32, #tpu.memory_space<vmem>>) target_semaphore(%run_scoped3A : memref<!tpu.dma_semaphore, #tpu.memory_space<semaphore_mem>>)
      %dma_wait3A_50 = arith.constant 0 : i32
      %dma_wait3A_51 = arith.constant 0 : i32
      %dma_wait3A_52 = tpu.memref_slice %arg2[%add3A, %dma_wait3A_50, %dma_wait3A_51] : memref<32x250x40xi32, #tpu.memory_space<hbm>> -> memref<1x250x40xi32, #tpu.memory_space<hbm>>
      %dma_wait3A_53 = tpu.memref_squeeze %dma_wait3A_52 : memref<1x250x40xi32, #tpu.memory_space<hbm>> -> memref<250x40xi32, #tpu.memory_space<hbm>>
      %dma_wait3A_54 = arith.constant 0 : i32
      %dma_wait3A_55 = arith.constant 0 : i32
      %dma_wait3A_56 = tpu.memref_slice %arg2[%add3A, %dma_wait3A_54, %dma_wait3A_55] : memref<32x250x40xi32, #tpu.memory_space<hbm>> -> memref<1x250x40xi32, #tpu.memory_space<hbm>>
      %dma_wait3A_57 = tpu.memref_squeeze %dma_wait3A_56 : memref<1x250x40xi32, #tpu.memory_space<hbm>> -> memref<250x40xi32, #tpu.memory_space<hbm>>
      tpu.wait_dma2 semaphore(%run_scoped3A : memref<!tpu.dma_semaphore, #tpu.memory_space<semaphore_mem>>) src(%dma_wait3A_57 : memref<250x40xi32, #tpu.memory_space<hbm>>) dst(%arg6 : memref<250x40xi32, #tpu.memory_space<vmem>>)
      tpu.yield
    }) : () -> ()
    %mul3A_3 = arith.constant 624 : i32
    %mul3A_4 = arith.muli %arg1, %mul3A_3 : i32
    %mul3A_5 = arith.constant 624 : i32
    %mul3A_6 = arith.muli %arg1, %mul3A_5 : i32
    "tpu.region"() ({
      %run_scoped3A = tpu.sem_alloc : memref<!tpu.dma_semaphore, #tpu.memory_space<semaphore_mem>>
      %dma_start3A_42 = arith.constant 0 : i32
      %dma_start3A_43 = tpu.memref_slice %arg13[%mul3A_6, %dma_start3A_42] : memref<10000x16xf32, #tpu.memory_space<vmem_shared>> -> memref<624x16xf32, #tpu.memory_space<vmem_shared>>
      %dma_start3A_44 = arith.constant 0 : i32
      %dma_start3A_45 = tpu.memref_slice %arg4[%mul3A_4, %dma_start3A_44] : memref<10000x16xf32, #tpu.memory_space<hbm>> -> memref<624x16xf32, #tpu.memory_space<hbm>>
      tpu.enqueue_dma source(%dma_start3A_45 : memref<624x16xf32, #tpu.memory_space<hbm>>) target(%dma_start3A_43 : memref<624x16xf32, #tpu.memory_space<vmem_shared>>) target_semaphore(%run_scoped3A : memref<!tpu.dma_semaphore, #tpu.memory_space<semaphore_mem>>)
      %dma_wait3A_46 = arith.constant 0 : i32
      %dma_wait3A_47 = tpu.memref_slice %arg13[%mul3A_6, %dma_wait3A_46] : memref<10000x16xf32, #tpu.memory_space<vmem_shared>> -> memref<624x16xf32, #tpu.memory_space<vmem_shared>>
      %dma_wait3A_48 = arith.constant 0 : i32
      %dma_wait3A_49 = tpu.memref_slice %arg4[%mul3A_4, %dma_wait3A_48] : memref<10000x16xf32, #tpu.memory_space<hbm>> -> memref<624x16xf32, #tpu.memory_space<hbm>>
      tpu.wait_dma2 semaphore(%run_scoped3A : memref<!tpu.dma_semaphore, #tpu.memory_space<semaphore_mem>>) src(%dma_wait3A_49 : memref<624x16xf32, #tpu.memory_space<hbm>>) dst(%dma_wait3A_47 : memref<624x16xf32, #tpu.memory_space<vmem_shared>>)
      tpu.yield
    }) : () -> ()
    %eq3A = arith.constant 15 : i32
    %eq3A_7 = arith.cmpi eq, %arg1, %eq3A : i32
    %convert_element_type3A = arith.extui %eq3A_7 : i1 to i32
    %cond3A = arith.constant 0 : i32
    %cond3A_8 = arith.cmpi ne, %convert_element_type3A, %cond3A : i32
    scf.if %cond3A_8 {
      "tpu.region"() ({
        %run_scoped3A = tpu.sem_alloc : memref<!tpu.dma_semaphore, #tpu.memory_space<semaphore_mem>>
        %dma_start3A_42 = arith.constant 9984 : i32
        %dma_start3A_43 = arith.constant 0 : i32
        %dma_start3A_44 = tpu.memref_slice %arg13[%dma_start3A_42, %dma_start3A_43] : memref<10000x16xf32, #tpu.memory_space<vmem_shared>> -> memref<16x16xf32, #tpu.memory_space<vmem_shared>>
        %dma_start3A_45 = arith.constant 9984 : i32
        %dma_start3A_46 = arith.constant 0 : i32
        %dma_start3A_47 = tpu.memref_slice %arg4[%dma_start3A_45, %dma_start3A_46] : memref<10000x16xf32, #tpu.memory_space<hbm>> -> memref<16x16xf32, #tpu.memory_space<hbm>>
        tpu.enqueue_dma source(%dma_start3A_47 : memref<16x16xf32, #tpu.memory_space<hbm>>) target(%dma_start3A_44 : memref<16x16xf32, #tpu.memory_space<vmem_shared>>) target_semaphore(%run_scoped3A : memref<!tpu.dma_semaphore, #tpu.memory_space<semaphore_mem>>)
        %dma_wait3A_48 = arith.constant 9984 : i32
        %dma_wait3A_49 = arith.constant 0 : i32
        %dma_wait3A_50 = tpu.memref_slice %arg13[%dma_wait3A_48, %dma_wait3A_49] : memref<10000x16xf32, #tpu.memory_space<vmem_shared>> -> memref<16x16xf32, #tpu.memory_space<vmem_shared>>
        %dma_wait3A_51 = arith.constant 9984 : i32
        %dma_wait3A_52 = arith.constant 0 : i32
        %dma_wait3A_53 = tpu.memref_slice %arg4[%dma_wait3A_51, %dma_wait3A_52] : memref<10000x16xf32, #tpu.memory_space<hbm>> -> memref<16x16xf32, #tpu.memory_space<hbm>>
        tpu.wait_dma2 semaphore(%run_scoped3A : memref<!tpu.dma_semaphore, #tpu.memory_space<semaphore_mem>>) src(%dma_wait3A_53 : memref<16x16xf32, #tpu.memory_space<hbm>>) dst(%dma_wait3A_50 : memref<16x16xf32, #tpu.memory_space<vmem_shared>>)
        tpu.yield
      }) : () -> ()
    } else {
    }
    %barrier3A = arith.constant 0 : index
    tpu.barrier barrier_id(%barrier3A)
    %add3A_9 = arith.constant 0 : i32
    %add3A_10 = arith.addi %mul3A_2, %add3A_9 : i32
    %dma_start3A = arith.constant 0 : i32
    %dma_start3A_11 = tpu.memref_slice %arg3[%add3A_10, %dma_start3A] : memref<320000x16xf32, #tpu.memory_space<hbm>> -> memref<40x16xf32, #tpu.memory_space<hbm>>
    %dma_start3A_12 = arith.constant 0 : i32
    %dma_start3A_13 = tpu.memref_slice %arg3[%add3A_10, %dma_start3A_12] : memref<320000x16xf32, #tpu.memory_space<hbm>> -> memref<40x16xf32, #tpu.memory_space<hbm>>
    tpu.enqueue_dma source(%dma_start3A_13 : memref<40x16xf32, #tpu.memory_space<hbm>>) target(%arg7 : memref<40x16xf32, #tpu.memory_space<vmem>>) target_semaphore(%arg9 : memref<!tpu.dma_semaphore, #tpu.memory_space<semaphore_mem>>)
    %add3A_14 = arith.constant 40 : i32
    %add3A_15 = arith.addi %mul3A_2, %add3A_14 : i32
    %dma_start3A_16 = arith.constant 0 : i32
    %dma_start3A_17 = tpu.memref_slice %arg3[%add3A_15, %dma_start3A_16] : memref<320000x16xf32, #tpu.memory_space<hbm>> -> memref<40x16xf32, #tpu.memory_space<hbm>>
    %dma_start3A_18 = arith.constant 0 : i32
    %dma_start3A_19 = tpu.memref_slice %arg3[%add3A_15, %dma_start3A_18] : memref<320000x16xf32, #tpu.memory_space<hbm>> -> memref<40x16xf32, #tpu.memory_space<hbm>>
    tpu.enqueue_dma source(%dma_start3A_19 : memref<40x16xf32, #tpu.memory_space<hbm>>) target(%arg8 : memref<40x16xf32, #tpu.memory_space<vmem>>) target_semaphore(%arg10 : memref<!tpu.dma_semaphore, #tpu.memory_space<semaphore_mem>>)
    %scan3A = arith.constant 0 : i32
    %scan3A_20 = arith.constant 0 : i32
    %scan3A_21 = arith.constant 125 : i32
    %scan3A_22 = arith.addi %scan3A_20, %scan3A_21 : i32
    %scan3A_23 = arith.constant 1 : i32
    scf.for %scan3A_42 = %scan3A_20 to %scan3A_22 step %scan3A_23  : i32 {
      %mul3A_43 = arith.constant 2 : i32
      %mul3A_44 = arith.muli %scan3A_42, %mul3A_43 : i32
      %add3A_45 = arith.constant 0 : i32
      %add3A_46 = arith.addi %mul3A_44, %add3A_45 : i32
      %mul3A_47 = arith.constant 40 : i32
      %mul3A_48 = arith.muli %add3A_46, %mul3A_47 : i32
      %add3A_49 = arith.addi %mul3A_2, %mul3A_48 : i32
      %dma_wait3A_50 = arith.constant 0 : i32
      %dma_wait3A_51 = tpu.memref_slice %arg3[%add3A_49, %dma_wait3A_50] : memref<320000x16xf32, #tpu.memory_space<hbm>> -> memref<40x16xf32, #tpu.memory_space<hbm>>
      %dma_wait3A_52 = arith.constant 0 : i32
      %dma_wait3A_53 = tpu.memref_slice %arg3[%add3A_49, %dma_wait3A_52] : memref<320000x16xf32, #tpu.memory_space<hbm>> -> memref<40x16xf32, #tpu.memory_space<hbm>>
      tpu.wait_dma2 semaphore(%arg9 : memref<!tpu.dma_semaphore, #tpu.memory_space<semaphore_mem>>) src(%dma_wait3A_53 : memref<40x16xf32, #tpu.memory_space<hbm>>) dst(%arg7 : memref<40x16xf32, #tpu.memory_space<vmem>>)
      %dma_start3A_54 = arith.constant 0 : i32
      %dma_start3A_55 = tpu.memref_slice %arg6[%add3A_46, %dma_start3A_54] : memref<250x40xi32, #tpu.memory_space<vmem>> -> memref<1x40xi32, #tpu.memory_space<vmem>>
      %dma_start3A_56 = tpu.memref_squeeze %dma_start3A_55 : memref<1x40xi32, #tpu.memory_space<vmem>> -> memref<40xi32, #tpu.memory_space<vmem>>
      %dma_start3A_57 = arith.constant 0 : i32
      %dma_start3A_58 = arith.constant 0 : i32
      %dma_start3A_59 = tpu.memref_slice %arg13[%dma_start3A_57, %dma_start3A_58] : memref<10000x16xf32, #tpu.memory_space<vmem_shared>> -> memref<10000x16xf32, #tpu.memory_space<vmem_shared>>
      tpu.enqueue_indirect_dma source(%arg7 : memref<40x16xf32, #tpu.memory_space<vmem>>) target(%dma_start3A_59 : memref<10000x16xf32, #tpu.memory_space<vmem_shared>>) offsets(%dma_start3A_56 : memref<40xi32, #tpu.memory_space<vmem>>) semaphore(%arg11 : memref<!tpu.dma_semaphore, #tpu.memory_space<semaphore_mem>>) {add = true}
      %add3A_60 = arith.constant 1 : i32
      %add3A_61 = arith.addi %mul3A_44, %add3A_60 : i32
      %mul3A_62 = arith.constant 40 : i32
      %mul3A_63 = arith.muli %add3A_61, %mul3A_62 : i32
      %add3A_64 = arith.addi %mul3A_2, %mul3A_63 : i32
      %dma_wait3A_65 = arith.constant 0 : i32
      %dma_wait3A_66 = tpu.memref_slice %arg3[%add3A_64, %dma_wait3A_65] : memref<320000x16xf32, #tpu.memory_space<hbm>> -> memref<40x16xf32, #tpu.memory_space<hbm>>
      %dma_wait3A_67 = arith.constant 0 : i32
      %dma_wait3A_68 = tpu.memref_slice %arg3[%add3A_64, %dma_wait3A_67] : memref<320000x16xf32, #tpu.memory_space<hbm>> -> memref<40x16xf32, #tpu.memory_space<hbm>>
      tpu.wait_dma2 semaphore(%arg10 : memref<!tpu.dma_semaphore, #tpu.memory_space<semaphore_mem>>) src(%dma_wait3A_68 : memref<40x16xf32, #tpu.memory_space<hbm>>) dst(%arg8 : memref<40x16xf32, #tpu.memory_space<vmem>>)
      %dma_start3A_69 = arith.constant 0 : i32
      %dma_start3A_70 = tpu.memref_slice %arg6[%add3A_61, %dma_start3A_69] : memref<250x40xi32, #tpu.memory_space<vmem>> -> memref<1x40xi32, #tpu.memory_space<vmem>>
      %dma_start3A_71 = tpu.memref_squeeze %dma_start3A_70 : memref<1x40xi32, #tpu.memory_space<vmem>> -> memref<40xi32, #tpu.memory_space<vmem>>
      %dma_start3A_72 = arith.constant 0 : i32
      %dma_start3A_73 = arith.constant 0 : i32
      %dma_start3A_74 = tpu.memref_slice %arg13[%dma_start3A_72, %dma_start3A_73] : memref<10000x16xf32, #tpu.memory_space<vmem_shared>> -> memref<10000x16xf32, #tpu.memory_space<vmem_shared>>
      tpu.enqueue_indirect_dma source(%arg8 : memref<40x16xf32, #tpu.memory_space<vmem>>) target(%dma_start3A_74 : memref<10000x16xf32, #tpu.memory_space<vmem_shared>>) offsets(%dma_start3A_71 : memref<40xi32, #tpu.memory_space<vmem>>) semaphore(%arg12 : memref<!tpu.dma_semaphore, #tpu.memory_space<semaphore_mem>>) {add = true}
      %add3A_75 = arith.constant 2 : i32
      %add3A_76 = arith.addi %mul3A_44, %add3A_75 : i32
      %add3A_77 = arith.constant 0 : i32
      %add3A_78 = arith.addi %add3A_76, %add3A_77 : i32
      %lt3A = arith.constant 250 : i32
      %lt3A_79 = arith.cmpi slt, %add3A_78, %lt3A : i32
      %convert_element_type3A_80 = arith.extui %lt3A_79 : i1 to i32
      %cond3A_81 = arith.constant 0 : i32
      %cond3A_82 = arith.cmpi ne, %convert_element_type3A_80, %cond3A_81 : i32
      scf.if %cond3A_82 {
        %dma_wait3A_92 = arith.constant 0 : i32
        %dma_wait3A_93 = tpu.memref_slice %arg3[%mul3A_2, %dma_wait3A_92] : memref<320000x16xf32, #tpu.memory_space<hbm>> -> memref<40x16xf32, #tpu.memory_space<hbm>>
        %dma_wait3A_94 = arith.constant 0 : i32
        %dma_wait3A_95 = tpu.memref_slice %arg3[%mul3A_2, %dma_wait3A_94] : memref<320000x16xf32, #tpu.memory_space<hbm>> -> memref<40x16xf32, #tpu.memory_space<hbm>>
        tpu.wait_dma2 semaphore(%arg11 : memref<!tpu.dma_semaphore, #tpu.memory_space<semaphore_mem>>) src(%dma_wait3A_95 : memref<40x16xf32, #tpu.memory_space<hbm>>) dst(%arg7 : memref<40x16xf32, #tpu.memory_space<vmem>>)
        %mul3A_96 = arith.constant 40 : i32
        %mul3A_97 = arith.muli %add3A_78, %mul3A_96 : i32
        %add3A_98 = arith.addi %mul3A_2, %mul3A_97 : i32
        %dma_start3A_99 = arith.constant 0 : i32
        %dma_start3A_100 = tpu.memref_slice %arg3[%add3A_98, %dma_start3A_99] : memref<320000x16xf32, #tpu.memory_space<hbm>> -> memref<40x16xf32, #tpu.memory_space<hbm>>
        %dma_start3A_101 = arith.constant 0 : i32
        %dma_start3A_102 = tpu.memref_slice %arg3[%add3A_98, %dma_start3A_101] : memref<320000x16xf32, #tpu.memory_space<hbm>> -> memref<40x16xf32, #tpu.memory_space<hbm>>
        tpu.enqueue_dma source(%dma_start3A_102 : memref<40x16xf32, #tpu.memory_space<hbm>>) target(%arg7 : memref<40x16xf32, #tpu.memory_space<vmem>>) target_semaphore(%arg9 : memref<!tpu.dma_semaphore, #tpu.memory_space<semaphore_mem>>)
      } else {
      }
      %add3A_83 = arith.constant 2 : i32
      %add3A_84 = arith.addi %mul3A_44, %add3A_83 : i32
      %add3A_85 = arith.constant 1 : i32
      %add3A_86 = arith.addi %add3A_84, %add3A_85 : i32
      %lt3A_87 = arith.constant 250 : i32
      %lt3A_88 = arith.cmpi slt, %add3A_86, %lt3A_87 : i32
      %convert_element_type3A_89 = arith.extui %lt3A_88 : i1 to i32
      %cond3A_90 = arith.constant 0 : i32
      %cond3A_91 = arith.cmpi ne, %convert_element_type3A_89, %cond3A_90 : i32
      scf.if %cond3A_91 {
        %dma_wait3A_92 = arith.constant 0 : i32
        %dma_wait3A_93 = tpu.memref_slice %arg3[%mul3A_2, %dma_wait3A_92] : memref<320000x16xf32, #tpu.memory_space<hbm>> -> memref<40x16xf32, #tpu.memory_space<hbm>>
        %dma_wait3A_94 = arith.constant 0 : i32
        %dma_wait3A_95 = tpu.memref_slice %arg3[%mul3A_2, %dma_wait3A_94] : memref<320000x16xf32, #tpu.memory_space<hbm>> -> memref<40x16xf32, #tpu.memory_space<hbm>>
        tpu.wait_dma2 semaphore(%arg12 : memref<!tpu.dma_semaphore, #tpu.memory_space<semaphore_mem>>) src(%dma_wait3A_95 : memref<40x16xf32, #tpu.memory_space<hbm>>) dst(%arg8 : memref<40x16xf32, #tpu.memory_space<vmem>>)
        %mul3A_96 = arith.constant 40 : i32
        %mul3A_97 = arith.muli %add3A_86, %mul3A_96 : i32
        %add3A_98 = arith.addi %mul3A_2, %mul3A_97 : i32
        %dma_start3A_99 = arith.constant 0 : i32
        %dma_start3A_100 = tpu.memref_slice %arg3[%add3A_98, %dma_start3A_99] : memref<320000x16xf32, #tpu.memory_space<hbm>> -> memref<40x16xf32, #tpu.memory_space<hbm>>
        %dma_start3A_101 = arith.constant 0 : i32
        %dma_start3A_102 = tpu.memref_slice %arg3[%add3A_98, %dma_start3A_101] : memref<320000x16xf32, #tpu.memory_space<hbm>> -> memref<40x16xf32, #tpu.memory_space<hbm>>
        tpu.enqueue_dma source(%dma_start3A_102 : memref<40x16xf32, #tpu.memory_space<hbm>>) target(%arg8 : memref<40x16xf32, #tpu.memory_space<vmem>>) target_semaphore(%arg10 : memref<!tpu.dma_semaphore, #tpu.memory_space<semaphore_mem>>)
      } else {
      }
    }
    %scan3A_24 = arith.constant 125 : i32
    %dma_wait3A = arith.constant 0 : i32
    %dma_wait3A_25 = tpu.memref_slice %arg3[%mul3A_2, %dma_wait3A] : memref<320000x16xf32, #tpu.memory_space<hbm>> -> memref<40x16xf32, #tpu.memory_space<hbm>>
    %dma_wait3A_26 = arith.constant 0 : i32
    %dma_wait3A_27 = tpu.memref_slice %arg3[%mul3A_2, %dma_wait3A_26] : memref<320000x16xf32, #tpu.memory_space<hbm>> -> memref<40x16xf32, #tpu.memory_space<hbm>>
    tpu.wait_dma2 semaphore(%arg11 : memref<!tpu.dma_semaphore, #tpu.memory_space<semaphore_mem>>) src(%dma_wait3A_27 : memref<40x16xf32, #tpu.memory_space<hbm>>) dst(%arg7 : memref<40x16xf32, #tpu.memory_space<vmem>>)
    %dma_wait3A_28 = arith.constant 0 : i32
    %dma_wait3A_29 = tpu.memref_slice %arg3[%mul3A_2, %dma_wait3A_28] : memref<320000x16xf32, #tpu.memory_space<hbm>> -> memref<40x16xf32, #tpu.memory_space<hbm>>
    %dma_wait3A_30 = arith.constant 0 : i32
    %dma_wait3A_31 = tpu.memref_slice %arg3[%mul3A_2, %dma_wait3A_30] : memref<320000x16xf32, #tpu.memory_space<hbm>> -> memref<40x16xf32, #tpu.memory_space<hbm>>
    tpu.wait_dma2 semaphore(%arg12 : memref<!tpu.dma_semaphore, #tpu.memory_space<semaphore_mem>>) src(%dma_wait3A_31 : memref<40x16xf32, #tpu.memory_space<hbm>>) dst(%arg8 : memref<40x16xf32, #tpu.memory_space<vmem>>)
    %barrier3A_32 = arith.constant 0 : index
    tpu.barrier barrier_id(%barrier3A_32)
    %mul3A_33 = arith.constant 624 : i32
    %mul3A_34 = arith.muli %arg1, %mul3A_33 : i32
    %mul3A_35 = arith.constant 624 : i32
    %mul3A_36 = arith.muli %arg1, %mul3A_35 : i32
    "tpu.region"() ({
      %run_scoped3A = tpu.sem_alloc : memref<!tpu.dma_semaphore, #tpu.memory_space<semaphore_mem>>
      %dma_start3A_42 = arith.constant 0 : i32
      %dma_start3A_43 = tpu.memref_slice %arg5[%arg0, %mul3A_36, %dma_start3A_42] : memref<2x10000x16xf32, #tpu.memory_space<hbm>> -> memref<1x624x16xf32, #tpu.memory_space<hbm>>
      %dma_start3A_44 = tpu.memref_squeeze %dma_start3A_43 : memref<1x624x16xf32, #tpu.memory_space<hbm>> -> memref<624x16xf32, #tpu.memory_space<hbm>>
      %dma_start3A_45 = arith.constant 0 : i32
      %dma_start3A_46 = tpu.memref_slice %arg13[%mul3A_34, %dma_start3A_45] : memref<10000x16xf32, #tpu.memory_space<vmem_shared>> -> memref<624x16xf32, #tpu.memory_space<vmem_shared>>
      tpu.enqueue_dma source(%dma_start3A_46 : memref<624x16xf32, #tpu.memory_space<vmem_shared>>) target(%dma_start3A_44 : memref<624x16xf32, #tpu.memory_space<hbm>>) target_semaphore(%run_scoped3A : memref<!tpu.dma_semaphore, #tpu.memory_space<semaphore_mem>>)
      %dma_wait3A_47 = arith.constant 0 : i32
      %dma_wait3A_48 = tpu.memref_slice %arg5[%arg0, %mul3A_36, %dma_wait3A_47] : memref<2x10000x16xf32, #tpu.memory_space<hbm>> -> memref<1x624x16xf32, #tpu.memory_space<hbm>>
      %dma_wait3A_49 = tpu.memref_squeeze %dma_wait3A_48 : memref<1x624x16xf32, #tpu.memory_space<hbm>> -> memref<624x16xf32, #tpu.memory_space<hbm>>
      %dma_wait3A_50 = arith.constant 0 : i32
      %dma_wait3A_51 = tpu.memref_slice %arg13[%mul3A_34, %dma_wait3A_50] : memref<10000x16xf32, #tpu.memory_space<vmem_shared>> -> memref<624x16xf32, #tpu.memory_space<vmem_shared>>
      tpu.wait_dma2 semaphore(%run_scoped3A : memref<!tpu.dma_semaphore, #tpu.memory_space<semaphore_mem>>) src(%dma_wait3A_51 : memref<624x16xf32, #tpu.memory_space<vmem_shared>>) dst(%dma_wait3A_49 : memref<624x16xf32, #tpu.memory_space<hbm>>)
      tpu.yield
    }) : () -> ()
    %eq3A_37 = arith.constant 15 : i32
    %eq3A_38 = arith.cmpi eq, %arg1, %eq3A_37 : i32
    %convert_element_type3A_39 = arith.extui %eq3A_38 : i1 to i32
    %cond3A_40 = arith.constant 0 : i32
    %cond3A_41 = arith.cmpi ne, %convert_element_type3A_39, %cond3A_40 : i32
    scf.if %cond3A_41 {
      "tpu.region"() ({
        %run_scoped3A = tpu.sem_alloc : memref<!tpu.dma_semaphore, #tpu.memory_space<semaphore_mem>>
        %dma_start3A_42 = arith.constant 9984 : i32
        %dma_start3A_43 = arith.constant 0 : i32
        %dma_start3A_44 = tpu.memref_slice %arg5[%arg0, %dma_start3A_42, %dma_start3A_43] : memref<2x10000x16xf32, #tpu.memory_space<hbm>> -> memref<1x16x16xf32, #tpu.memory_space<hbm>>
        %dma_start3A_45 = tpu.memref_squeeze %dma_start3A_44 : memref<1x16x16xf32, #tpu.memory_space<hbm>> -> memref<16x16xf32, #tpu.memory_space<hbm>>
        %dma_start3A_46 = arith.constant 9984 : i32
        %dma_start3A_47 = arith.constant 0 : i32
        %dma_start3A_48 = tpu.memref_slice %arg13[%dma_start3A_46, %dma_start3A_47] : memref<10000x16xf32, #tpu.memory_space<vmem_shared>> -> memref<16x16xf32, #tpu.memory_space<vmem_shared>>
        tpu.enqueue_dma source(%dma_start3A_48 : memref<16x16xf32, #tpu.memory_space<vmem_shared>>) target(%dma_start3A_45 : memref<16x16xf32, #tpu.memory_space<hbm>>) target_semaphore(%run_scoped3A : memref<!tpu.dma_semaphore, #tpu.memory_space<semaphore_mem>>)
        %dma_wait3A_49 = arith.constant 9984 : i32
        %dma_wait3A_50 = arith.constant 0 : i32
        %dma_wait3A_51 = tpu.memref_slice %arg5[%arg0, %dma_wait3A_49, %dma_wait3A_50] : memref<2x10000x16xf32, #tpu.memory_space<hbm>> -> memref<1x16x16xf32, #tpu.memory_space<hbm>>
        %dma_wait3A_52 = tpu.memref_squeeze %dma_wait3A_51 : memref<1x16x16xf32, #tpu.memory_space<hbm>> -> memref<16x16xf32, #tpu.memory_space<hbm>>
        %dma_wait3A_53 = arith.constant 9984 : i32
        %dma_wait3A_54 = arith.constant 0 : i32
        %dma_wait3A_55 = tpu.memref_slice %arg13[%dma_wait3A_53, %dma_wait3A_54] : memref<10000x16xf32, #tpu.memory_space<vmem_shared>> -> memref<16x16xf32, #tpu.memory_space<vmem_shared>>
        tpu.wait_dma2 semaphore(%run_scoped3A : memref<!tpu.dma_semaphore, #tpu.memory_space<semaphore_mem>>) src(%dma_wait3A_55 : memref<16x16xf32, #tpu.memory_space<vmem_shared>>) dst(%dma_wait3A_52 : memref<16x16xf32, #tpu.memory_space<hbm>>)
        tpu.yield
      }) : () -> ()
    } else {
    }
    return
  }
}

module attributes {stable_mosaic.version = 14 : i64} {
  func.func @_prep_body(%arg0: i32, %arg1: memref<1000x128xf32, #tpu.memory_space<vmem>>, %arg2: memref<1000x128xbf16, #tpu.memory_space<vmem>>, %arg3: memref<128x128xbf16, #tpu.memory_space<vmem>>, %arg4: memref<128x128xbf16, #tpu.memory_space<vmem>>, %arg5: memref<1000x128xf32, #tpu.memory_space<vmem>>, %arg6: memref<1000x128xf32, #tpu.memory_space<vmem>>) attributes {dimension_semantics = [#tpu.dimension_semantics<arbitrary>], iteration_bounds = array<i64: 10>, scalar_prefetch = 0 : i64, scratch_operands = 0 : i64, tpu.core_type = #tpu.core_type<tc>, window_params = [{transform_indices = @transform_0, window_bounds = array<i64: 1000, 128>}, {transform_indices = @transform_1, window_bounds = array<i64: 1000, 128>}, {pipeline_mode = #tpu.pipeline_mode<synchronous>, transform_indices = @transform_2, window_bounds = array<i64: 128, 128>}, {pipeline_mode = #tpu.pipeline_mode<synchronous>, transform_indices = @transform_3, window_bounds = array<i64: 128, 128>}, {transform_indices = @transform_4, window_bounds = array<i64: 1000, 128>}, {transform_indices = @transform_5, window_bounds = array<i64: 1000, 128>}]} {
    %get3A = arith.constant 0 : index
    %get3A_0 = arith.constant 0 : index
    %get3A_1 = vector.load %arg1[%get3A, %get3A_0] : memref<1000x128xf32, #tpu.memory_space<vmem>>, vector<1000x128xf32>
    %convert_element_type3A = arith.truncf %get3A_1 : vector<1000x128xf32> to vector<1000x128xbf16>
    %get3A_2 = arith.constant 0 : index
    %get3A_3 = arith.constant 0 : index
    %get3A_4 = vector.load %arg2[%get3A_2, %get3A_3] : memref<1000x128xbf16, #tpu.memory_space<vmem>>, vector<1000x128xbf16>
    %get3A_5 = arith.constant 0 : index
    %get3A_6 = arith.constant 0 : index
    %get3A_7 = vector.load %arg3[%get3A_5, %get3A_6] : memref<128x128xbf16, #tpu.memory_space<vmem>>, vector<128x128xbf16>
    %dot_general3A = arith.constant dense<0.000000e+00> : vector<1000x128xf32>
    %dot_general3A_8 = tpu.matmul %convert_element_type3A, %get3A_7, %dot_general3A {dimension_numbers = #tpu.dot_dimension_numbers<[1], [0], [0], [1], [0, 0, 1, 1], [], []>, transpose_lhs_hint = false} : vector<1000x128xbf16>, vector<128x128xbf16>, vector<1000x128xf32> -> vector<1000x128xf32>
    %convert_element_type3A_9 = arith.truncf %dot_general3A_8 : vector<1000x128xf32> to vector<1000x128xbf16>
    %bitcast_convert_type3A = tpu.bitcast %convert_element_type3A_9 : vector<1000x128xbf16> -> vector<1000x128xi16>
    %convert_element_type3A_10 = arith.extui %bitcast_convert_type3A : vector<1000x128xi16> to vector<1000x128xi32>
    %bitcast_convert_type3A_11 = tpu.bitcast %get3A_4 : vector<1000x128xbf16> -> vector<1000x128xi16>
    %convert_element_type3A_12 = arith.extui %bitcast_convert_type3A_11 : vector<1000x128xi16> to vector<1000x128xi32>
    %shift_left3A = arith.constant 16 : i32
    %shift_left3A_13 = vector.broadcast %shift_left3A : i32 to vector<1000x128xi32>
    %shift_left3A_14 = arith.shli %convert_element_type3A_12, %shift_left3A_13 : vector<1000x128xi32>
    %or3A = arith.ori %convert_element_type3A_10, %shift_left3A_14 : vector<1000x128xi32>
    %bitcast_convert_type3A_15 = tpu.bitcast %or3A : vector<1000x128xi32> -> vector<1000x128xf32>
    %swap3A = arith.constant 0 : index
    %swap3A_16 = arith.constant 0 : index
    %swap3A_17 = vector.load %arg5[%swap3A, %swap3A_16] : memref<1000x128xf32, #tpu.memory_space<vmem>>, vector<1000x128xf32>
    tpu.vector_store %arg5[%swap3A, %swap3A_16], %bitcast_convert_type3A_15 {strides = array<i32>} : memref<1000x128xf32, #tpu.memory_space<vmem>>, vector<1000x128xf32>,
    %get3A_18 = arith.constant 0 : index
    %get3A_19 = arith.constant 0 : index
    %get3A_20 = vector.load %arg4[%get3A_18, %get3A_19] : memref<128x128xbf16, #tpu.memory_space<vmem>>, vector<128x128xbf16>
    %dot_general3A_21 = arith.constant dense<0.000000e+00> : vector<1000x128xf32>
    %dot_general3A_22 = tpu.matmul %convert_element_type3A, %get3A_20, %dot_general3A_21 {dimension_numbers = #tpu.dot_dimension_numbers<[1], [0], [0], [1], [0, 0, 1, 1], [], []>, transpose_lhs_hint = false} : vector<1000x128xbf16>, vector<128x128xbf16>, vector<1000x128xf32> -> vector<1000x128xf32>
    %convert_element_type3A_23 = arith.truncf %dot_general3A_22 : vector<1000x128xf32> to vector<1000x128xbf16>
    %bitcast_convert_type3A_24 = tpu.bitcast %convert_element_type3A_23 : vector<1000x128xbf16> -> vector<1000x128xi16>
    %convert_element_type3A_25 = arith.extui %bitcast_convert_type3A_24 : vector<1000x128xi16> to vector<1000x128xi32>
    %bitcast_convert_type3A_26 = tpu.bitcast %get3A_4 : vector<1000x128xbf16> -> vector<1000x128xi16>
    %convert_element_type3A_27 = arith.extui %bitcast_convert_type3A_26 : vector<1000x128xi16> to vector<1000x128xi32>
    %shift_left3A_28 = arith.constant 16 : i32
    %shift_left3A_29 = vector.broadcast %shift_left3A_28 : i32 to vector<1000x128xi32>
    %shift_left3A_30 = arith.shli %convert_element_type3A_27, %shift_left3A_29 : vector<1000x128xi32>
    %or3A_31 = arith.ori %convert_element_type3A_25, %shift_left3A_30 : vector<1000x128xi32>
    %bitcast_convert_type3A_32 = tpu.bitcast %or3A_31 : vector<1000x128xi32> -> vector<1000x128xf32>
    %swap3A_33 = arith.constant 0 : index
    %swap3A_34 = arith.constant 0 : index
    %swap3A_35 = vector.load %arg6[%swap3A_33, %swap3A_34] : memref<1000x128xf32, #tpu.memory_space<vmem>>, vector<1000x128xf32>
    tpu.vector_store %arg6[%swap3A_33, %swap3A_34], %bitcast_convert_type3A_32 {strides = array<i32>} : memref<1000x128xf32, #tpu.memory_space<vmem>>, vector<1000x128xf32>,
    return
  }
  func.func @transform_0(%arg0: i32) -> (i32, i32) {
    %c0_i32 = arith.constant 0 : i32
    %c0_i32_0 = arith.constant 0 : i32
    return %arg0, %c0_i32 : i32, i32
  }
  func.func @transform_1(%arg0: i32) -> (i32, i32) {
    %c0_i32 = arith.constant 0 : i32
    %c0_i32_0 = arith.constant 0 : i32
    return %arg0, %c0_i32 : i32, i32
  }
  func.func @transform_2(%arg0: i32) -> (i32, i32) {
    %c0_i32 = arith.constant 0 : i32
    %c0_i32_0 = arith.constant 0 : i32
    %c0_i32_1 = arith.constant 0 : i32
    return %c0_i32, %c0_i32_0 : i32, i32
  }
  func.func @transform_3(%arg0: i32) -> (i32, i32) {
    %c0_i32 = arith.constant 0 : i32
    %c0_i32_0 = arith.constant 0 : i32
    %c0_i32_1 = arith.constant 0 : i32
    return %c0_i32, %c0_i32_0 : i32, i32
  }
  func.func @transform_4(%arg0: i32) -> (i32, i32) {
    %c0_i32 = arith.constant 0 : i32
    %c0_i32_0 = arith.constant 0 : i32
    return %arg0, %c0_i32 : i32, i32
  }
  func.func @transform_5(%arg0: i32) -> (i32, i32) {
    %c0_i32 = arith.constant 0 : i32
    %c0_i32_0 = arith.constant 0 : i32
    return %arg0, %c0_i32 : i32, i32
  }
}

module attributes {stable_mosaic.version = 14 : i64} {
  func.func @_edge_body(%arg0: i32, %arg1: memref<2000x128xf32, #tpu.memory_space<vmem>>, %arg2: memref<2000x128xf32, #tpu.memory_space<vmem>>, %arg3: memref<2000x16xf32, #tpu.memory_space<vmem>>, %arg4: memref<16x128xf32, #tpu.memory_space<vmem>>, %arg5: memref<1x128xf32, #tpu.memory_space<vmem>>, %arg6: memref<1x128xf32, #tpu.memory_space<vmem>>, %arg7: memref<128x128xbf16, #tpu.memory_space<vmem>>, %arg8: memref<1x128xf32, #tpu.memory_space<vmem>>, %arg9: memref<128x128xbf16, #tpu.memory_space<vmem>>, %arg10: memref<1x128xf32, #tpu.memory_space<vmem>>, %arg11: memref<1x128xf32, #tpu.memory_space<vmem>>, %arg12: memref<128x16xf32, #tpu.memory_space<vmem>>, %arg13: memref<2000x128xf32, #tpu.memory_space<vmem>>, %arg14: memref<2000x16xf32, #tpu.memory_space<vmem>>) attributes {dimension_semantics = [#tpu.dimension_semantics<arbitrary>], iteration_bounds = array<i64: 160>, scalar_prefetch = 0 : i64, scratch_operands = 0 : i64, tpu.core_type = #tpu.core_type<tc>, window_params = [{transform_indices = @transform_0, window_bounds = array<i64: 2000, 128>}, {transform_indices = @transform_1, window_bounds = array<i64: 2000, 128>}, {transform_indices = @transform_2, window_bounds = array<i64: 2000, 16>}, {pipeline_mode = #tpu.pipeline_mode<synchronous>, transform_indices = @transform_3, window_bounds = array<i64: 16, 128>}, {pipeline_mode = #tpu.pipeline_mode<synchronous>, transform_indices = @transform_4, window_bounds = array<i64: 1, 128>}, {pipeline_mode = #tpu.pipeline_mode<synchronous>, transform_indices = @transform_5, window_bounds = array<i64: 1, 128>}, {pipeline_mode = #tpu.pipeline_mode<synchronous>, transform_indices = @transform_6, window_bounds = array<i64: 128, 128>}, {pipeline_mode = #tpu.pipeline_mode<synchronous>, transform_indices = @transform_7, window_bounds = array<i64: 1, 128>}, {pipeline_mode = #tpu.pipeline_mode<synchronous>, transform_indices = @transform_8, window_bounds = array<i64: 128, 128>}, {pipeline_mode = #tpu.pipeline_mode<synchronous>, transform_indices = @transform_9, window_bounds = array<i64: 1, 128>}, {pipeline_mode = #tpu.pipeline_mode<synchronous>, transform_indices = @transform_10, window_bounds = array<i64: 1, 128>}, {pipeline_mode = #tpu.pipeline_mode<synchronous>, transform_indices = @transform_11, window_bounds = array<i64: 128, 16>}, {transform_indices = @transform_12, window_bounds = array<i64: 2000, 128>}, {transform_indices = @transform_13, window_bounds = array<i64: 2000, 16>}]} {
    %get3A = arith.constant 0 : index
    %get3A_0 = arith.constant 0 : index
    %get3A_1 = vector.load %arg1[%get3A, %get3A_0] : memref<2000x128xf32, #tpu.memory_space<vmem>>, vector<2000x128xf32>
    %get3A_2 = arith.constant 0 : index
    %get3A_3 = arith.constant 0 : index
    %get3A_4 = vector.load %arg2[%get3A_2, %get3A_3] : memref<2000x128xf32, #tpu.memory_space<vmem>>, vector<2000x128xf32>
    %bitcast_convert_type3A = tpu.bitcast %get3A_1 : vector<2000x128xf32> -> vector<2000x128xi32>
    %shift_right_logical3A = arith.constant 16 : i32
    %shift_right_logical3A_5 = vector.broadcast %shift_right_logical3A : i32 to vector<2000x128xi32>
    %shift_right_logical3A_6 = arith.shrui %bitcast_convert_type3A, %shift_right_logical3A_5 : vector<2000x128xi32>
    %convert_element_type3A = arith.trunci %shift_right_logical3A_6 : vector<2000x128xi32> to vector<2000x128xi16>
    %bitcast_convert_type3A_7 = tpu.bitcast %convert_element_type3A : vector<2000x128xi16> -> vector<2000x128xbf16>
    %convert_element_type3A_8 = arith.extf %bitcast_convert_type3A_7 : vector<2000x128xbf16> to vector<2000x128xf32>
    %bitcast_convert_type3A_9 = tpu.bitcast %get3A_4 : vector<2000x128xf32> -> vector<2000x128xi32>
    %shift_right_logical3A_10 = arith.constant 16 : i32
    %shift_right_logical3A_11 = vector.broadcast %shift_right_logical3A_10 : i32 to vector<2000x128xi32>
    %shift_right_logical3A_12 = arith.shrui %bitcast_convert_type3A_9, %shift_right_logical3A_11 : vector<2000x128xi32>
    %convert_element_type3A_13 = arith.trunci %shift_right_logical3A_12 : vector<2000x128xi32> to vector<2000x128xi16>
    %bitcast_convert_type3A_14 = tpu.bitcast %convert_element_type3A_13 : vector<2000x128xi16> -> vector<2000x128xbf16>
    %convert_element_type3A_15 = arith.extf %bitcast_convert_type3A_14 : vector<2000x128xbf16> to vector<2000x128xf32>
    %sub3A = arith.subf %convert_element_type3A_8, %convert_element_type3A_15 : vector<2000x128xf32>
    %mul3A = arith.mulf %sub3A, %sub3A : vector<2000x128xf32>
    %reduce_sum3A = arith.constant dense<0.000000e+00> : vector<2000xf32>
    %reduce_sum3A_16 = vector.multi_reduction <add>, %mul3A, %reduce_sum3A [1] : vector<2000x128xf32> to vector<2000xf32>
    %broadcast_in_dim3A = vector.shape_cast %reduce_sum3A_16 : vector<2000xf32> to vector<2000x1xf32>
    %bitcast_convert_type3A_17 = tpu.bitcast %get3A_1 : vector<2000x128xf32> -> vector<2000x128xi32>
    %and3A = arith.constant 65535 : i32
    %and3A_18 = vector.broadcast %and3A : i32 to vector<2000x128xi32>
    %and3A_19 = arith.andi %bitcast_convert_type3A_17, %and3A_18 : vector<2000x128xi32>
    %convert_element_type3A_20 = arith.trunci %and3A_19 : vector<2000x128xi32> to vector<2000x128xi16>
    %bitcast_convert_type3A_21 = tpu.bitcast %convert_element_type3A_20 : vector<2000x128xi16> -> vector<2000x128xbf16>
    %convert_element_type3A_22 = arith.extf %bitcast_convert_type3A_21 : vector<2000x128xbf16> to vector<2000x128xf32>
    %bitcast_convert_type3A_23 = tpu.bitcast %get3A_4 : vector<2000x128xf32> -> vector<2000x128xi32>
    %and3A_24 = arith.constant 65535 : i32
    %and3A_25 = vector.broadcast %and3A_24 : i32 to vector<2000x128xi32>
    %and3A_26 = arith.andi %bitcast_convert_type3A_23, %and3A_25 : vector<2000x128xi32>
    %convert_element_type3A_27 = arith.trunci %and3A_26 : vector<2000x128xi32> to vector<2000x128xi16>
    %bitcast_convert_type3A_28 = tpu.bitcast %convert_element_type3A_27 : vector<2000x128xi16> -> vector<2000x128xbf16>
    %convert_element_type3A_29 = arith.extf %bitcast_convert_type3A_28 : vector<2000x128xbf16> to vector<2000x128xf32>
    %add3A = arith.addf %convert_element_type3A_22, %convert_element_type3A_29 : vector<2000x128xf32>
    %get3A_30 = arith.constant 0 : index
    %get3A_31 = arith.constant 0 : index
    %get3A_32 = vector.load %arg6[%get3A_30, %get3A_31] : memref<1x128xf32, #tpu.memory_space<vmem>>, vector<1x128xf32>
    %mul3A_33 = vector.broadcast %broadcast_in_dim3A : vector<2000x1xf32> to vector<2000x128xf32>
    %mul3A_34 = vector.broadcast %get3A_32 : vector<1x128xf32> to vector<2000x128xf32>
    %mul3A_35 = arith.mulf %mul3A_33, %mul3A_34 : vector<2000x128xf32>
    %add3A_36 = arith.addf %add3A, %mul3A_35 : vector<2000x128xf32>
    %get3A_37 = arith.constant 0 : index
    %get3A_38 = arith.constant 0 : index
    %get3A_39 = vector.load %arg3[%get3A_37, %get3A_38] : memref<2000x16xf32, #tpu.memory_space<vmem>>, vector<2000x16xf32>
    %get3A_40 = arith.constant 0 : index
    %get3A_41 = arith.constant 0 : index
    %get3A_42 = vector.load %arg4[%get3A_40, %get3A_41] : memref<16x128xf32, #tpu.memory_space<vmem>>, vector<16x128xf32>
    %dot_general3A = arith.constant dense<0.000000e+00> : vector<2000x128xf32>
    %dot_general3A_43 = tpu.matmul %get3A_39, %get3A_42, %dot_general3A {dimension_numbers = #tpu.dot_dimension_numbers<[1], [0], [0], [1], [0, 0, 1, 1], [], []>, transpose_lhs_hint = false} : vector<2000x16xf32>, vector<16x128xf32>, vector<2000x128xf32> -> vector<2000x128xf32>
    %add3A_44 = arith.addf %add3A_36, %dot_general3A_43 : vector<2000x128xf32>
    %get3A_45 = arith.constant 0 : index
    %get3A_46 = arith.constant 0 : index
    %get3A_47 = vector.load %arg5[%get3A_45, %get3A_46] : memref<1x128xf32, #tpu.memory_space<vmem>>, vector<1x128xf32>
    %add3A_48 = vector.broadcast %get3A_47 : vector<1x128xf32> to vector<2000x128xf32>
    %add3A_49 = arith.addf %add3A_44, %add3A_48 : vector<2000x128xf32>
    %neg3A = arith.constant 0.000000e+00 : f32
    %neg3A_50 = vector.broadcast %neg3A : f32 to vector<2000x128xf32>
    %neg3A_51 = arith.subf %neg3A_50, %add3A_49 : vector<2000x128xf32>
    %exp3A = math.exp %neg3A_51 : vector<2000x128xf32>
    %add3A_52 = arith.constant 1.000000e+00 : f32
    %add3A_53 = vector.broadcast %add3A_52 : f32 to vector<2000x128xf32>
    %add3A_54 = arith.addf %add3A_53, %exp3A : vector<2000x128xf32>
    %div3A = arith.divf %add3A_49, %add3A_54 : vector<2000x128xf32>
    %convert_element_type3A_55 = arith.truncf %div3A : vector<2000x128xf32> to vector<2000x128xbf16>
    %get3A_56 = arith.constant 0 : index
    %get3A_57 = arith.constant 0 : index
    %get3A_58 = vector.load %arg7[%get3A_56, %get3A_57] : memref<128x128xbf16, #tpu.memory_space<vmem>>, vector<128x128xbf16>
    %dot_general3A_59 = arith.constant dense<0.000000e+00> : vector<2000x128xf32>
    %dot_general3A_60 = tpu.matmul %convert_element_type3A_55, %get3A_58, %dot_general3A_59 {dimension_numbers = #tpu.dot_dimension_numbers<[1], [0], [0], [1], [0, 0, 1, 1], [], []>, transpose_lhs_hint = false} : vector<2000x128xbf16>, vector<128x128xbf16>, vector<2000x128xf32> -> vector<2000x128xf32>
    %get3A_61 = arith.constant 0 : index
    %get3A_62 = arith.constant 0 : index
    %get3A_63 = vector.load %arg8[%get3A_61, %get3A_62] : memref<1x128xf32, #tpu.memory_space<vmem>>, vector<1x128xf32>
    %add3A_64 = vector.broadcast %get3A_63 : vector<1x128xf32> to vector<2000x128xf32>
    %add3A_65 = arith.addf %dot_general3A_60, %add3A_64 : vector<2000x128xf32>
    %neg3A_66 = arith.constant 0.000000e+00 : f32
    %neg3A_67 = vector.broadcast %neg3A_66 : f32 to vector<2000x128xf32>
    %neg3A_68 = arith.subf %neg3A_67, %add3A_65 : vector<2000x128xf32>
    %exp3A_69 = math.exp %neg3A_68 : vector<2000x128xf32>
    %add3A_70 = arith.constant 1.000000e+00 : f32
    %add3A_71 = vector.broadcast %add3A_70 : f32 to vector<2000x128xf32>
    %add3A_72 = arith.addf %add3A_71, %exp3A_69 : vector<2000x128xf32>
    %div3A_73 = arith.divf %add3A_65, %add3A_72 : vector<2000x128xf32>
    %convert_element_type3A_74 = arith.truncf %div3A_73 : vector<2000x128xf32> to vector<2000x128xbf16>
    %get3A_75 = arith.constant 0 : index
    %get3A_76 = arith.constant 0 : index
    %get3A_77 = vector.load %arg9[%get3A_75, %get3A_76] : memref<128x128xbf16, #tpu.memory_space<vmem>>, vector<128x128xbf16>
    %dot_general3A_78 = arith.constant dense<0.000000e+00> : vector<2000x128xf32>
    %dot_general3A_79 = tpu.matmul %convert_element_type3A_74, %get3A_77, %dot_general3A_78 {dimension_numbers = #tpu.dot_dimension_numbers<[1], [0], [0], [1], [0, 0, 1, 1], [], []>, transpose_lhs_hint = false} : vector<2000x128xbf16>, vector<128x128xbf16>, vector<2000x128xf32> -> vector<2000x128xf32>
    %get3A_80 = arith.constant 0 : index
    %get3A_81 = arith.constant 0 : index
    %get3A_82 = vector.load %arg10[%get3A_80, %get3A_81] : memref<1x128xf32, #tpu.memory_space<vmem>>, vector<1x128xf32>
    %add3A_83 = vector.broadcast %get3A_82 : vector<1x128xf32> to vector<2000x128xf32>
    %add3A_84 = arith.addf %dot_general3A_79, %add3A_83 : vector<2000x128xf32>
    %neg3A_85 = arith.constant 0.000000e+00 : f32
    %neg3A_86 = vector.broadcast %neg3A_85 : f32 to vector<2000x128xf32>
    %neg3A_87 = arith.subf %neg3A_86, %add3A_84 : vector<2000x128xf32>
    %exp3A_88 = math.exp %neg3A_87 : vector<2000x128xf32>
    %add3A_89 = arith.constant 1.000000e+00 : f32
    %add3A_90 = vector.broadcast %add3A_89 : f32 to vector<2000x128xf32>
    %add3A_91 = arith.addf %add3A_90, %exp3A_88 : vector<2000x128xf32>
    %div3A_92 = arith.divf %add3A_84, %add3A_91 : vector<2000x128xf32>
    %get3A_93 = arith.constant 0 : index
    %get3A_94 = arith.constant 0 : index
    %get3A_95 = vector.load %arg11[%get3A_93, %get3A_94] : memref<1x128xf32, #tpu.memory_space<vmem>>, vector<1x128xf32>
    %mul3A_96 = vector.broadcast %get3A_95 : vector<1x128xf32> to vector<2000x128xf32>
    %mul3A_97 = arith.mulf %div3A_92, %mul3A_96 : vector<2000x128xf32>
    %reduce_sum3A_98 = arith.constant dense<0.000000e+00> : vector<2000xf32>
    %reduce_sum3A_99 = vector.multi_reduction <add>, %mul3A_97, %reduce_sum3A_98 [1] : vector<2000x128xf32> to vector<2000xf32>
    %broadcast_in_dim3A_100 = vector.shape_cast %reduce_sum3A_99 : vector<2000xf32> to vector<2000x1xf32>
    %iota3A = tpu.iota {dimensions = array<i32: 1>} : vector<1x16xi32>
    %eq3A = arith.constant 3 : i32
    %eq3A_101 = vector.broadcast %eq3A : i32 to vector<1x16xi32>
    %eq3A_102 = arith.cmpi eq, %iota3A, %eq3A_101 : vector<1x16xi32>
    %jit3A = arith.constant 1.000000e+00 : f32
    %jit3A_103 = arith.constant 0.000000e+00 : f32
    %broadcast_in_dim3A_104 = vector.broadcast %jit3A : f32 to vector<1x16xf32>
    %broadcast_in_dim3A_105 = vector.broadcast %jit3A_103 : f32 to vector<1x16xf32>
    %select_n3A = arith.select %eq3A_102, %broadcast_in_dim3A_104, %broadcast_in_dim3A_105 : vector<1x16xi1>, vector<1x16xf32>
    %swap3A = arith.constant 0 : index
    %swap3A_106 = arith.constant 0 : index
    %swap3A_107 = vector.load %arg13[%swap3A, %swap3A_106] : memref<2000x128xf32, #tpu.memory_space<vmem>>, vector<2000x128xf32>
    tpu.vector_store %arg13[%swap3A, %swap3A_106], %div3A_73 {strides = array<i32>} : memref<2000x128xf32, #tpu.memory_space<vmem>>, vector<2000x128xf32>,
    %mul3A_108 = vector.broadcast %broadcast_in_dim3A_100 : vector<2000x1xf32> to vector<2000x128xf32>
    %mul3A_109 = arith.mulf %sub3A, %mul3A_108 : vector<2000x128xf32>
    %get3A_110 = arith.constant 0 : index
    %get3A_111 = arith.constant 0 : index
    %get3A_112 = vector.load %arg12[%get3A_110, %get3A_111] : memref<128x16xf32, #tpu.memory_space<vmem>>, vector<128x16xf32>
    %dot_general3A_113 = arith.constant dense<0.000000e+00> : vector<2000x16xf32>
    %dot_general3A_114 = tpu.matmul %mul3A_109, %get3A_112, %dot_general3A_113 {dimension_numbers = #tpu.dot_dimension_numbers<[1], [0], [0], [1], [0, 0, 1, 1], [], []>, transpose_lhs_hint = false} : vector<2000x128xf32>, vector<128x16xf32>, vector<2000x16xf32> -> vector<2000x16xf32>
    %add3A_115 = vector.broadcast %select_n3A : vector<1x16xf32> to vector<2000x16xf32>
    %add3A_116 = arith.addf %dot_general3A_114, %add3A_115 : vector<2000x16xf32>
    %swap3A_117 = arith.constant 0 : index
    %swap3A_118 = arith.constant 0 : index
    %swap3A_119 = vector.load %arg14[%swap3A_117, %swap3A_118] : memref<2000x16xf32, #tpu.memory_space<vmem>>, vector<2000x16xf32>
    tpu.vector_store %arg14[%swap3A_117, %swap3A_118], %add3A_116 {strides = array<i32>} : memref<2000x16xf32, #tpu.memory_space<vmem>>, vector<2000x16xf32>,
    return
  }
  func.func @transform_0(%arg0: i32) -> (i32, i32) {
    %c0_i32 = arith.constant 0 : i32
    %c0_i32_0 = arith.constant 0 : i32
    return %arg0, %c0_i32 : i32, i32
  }
  func.func @transform_1(%arg0: i32) -> (i32, i32) {
    %c0_i32 = arith.constant 0 : i32
    %c0_i32_0 = arith.constant 0 : i32
    return %arg0, %c0_i32 : i32, i32
  }
  func.func @transform_2(%arg0: i32) -> (i32, i32) {
    %c0_i32 = arith.constant 0 : i32
    %c0_i32_0 = arith.constant 0 : i32
    return %arg0, %c0_i32 : i32, i32
  }
  func.func @transform_3(%arg0: i32) -> (i32, i32) {
    %c0_i32 = arith.constant 0 : i32
    %c0_i32_0 = arith.constant 0 : i32
    %c0_i32_1 = arith.constant 0 : i32
    return %c0_i32, %c0_i32_0 : i32, i32
  }
  func.func @transform_4(%arg0: i32) -> (i32, i32) {
    %c0_i32 = arith.constant 0 : i32
    %c0_i32_0 = arith.constant 0 : i32
    %c0_i32_1 = arith.constant 0 : i32
    return %c0_i32, %c0_i32_0 : i32, i32
  }
  func.func @transform_5(%arg0: i32) -> (i32, i32) {
    %c0_i32 = arith.constant 0 : i32
    %c0_i32_0 = arith.constant 0 : i32
    %c0_i32_1 = arith.constant 0 : i32
    return %c0_i32, %c0_i32_0 : i32, i32
  }
  func.func @transform_6(%arg0: i32) -> (i32, i32) {
    %c0_i32 = arith.constant 0 : i32
    %c0_i32_0 = arith.constant 0 : i32
    %c0_i32_1 = arith.constant 0 : i32
    return %c0_i32, %c0_i32_0 : i32, i32
  }
  func.func @transform_7(%arg0: i32) -> (i32, i32) {
    %c0_i32 = arith.constant 0 : i32
    %c0_i32_0 = arith.constant 0 : i32
    %c0_i32_1 = arith.constant 0 : i32
    return %c0_i32, %c0_i32_0 : i32, i32
  }
  func.func @transform_8(%arg0: i32) -> (i32, i32) {
    %c0_i32 = arith.constant 0 : i32
    %c0_i32_0 = arith.constant 0 : i32
    %c0_i32_1 = arith.constant 0 : i32
    return %c0_i32, %c0_i32_0 : i32, i32
  }
  func.func @transform_9(%arg0: i32) -> (i32, i32) {
    %c0_i32 = arith.constant 0 : i32
    %c0_i32_0 = arith.constant 0 : i32
    %c0_i32_1 = arith.constant 0 : i32
    return %c0_i32, %c0_i32_0 : i32, i32
  }
  func.func @transform_10(%arg0: i32) -> (i32, i32) {
    %c0_i32 = arith.constant 0 : i32
    %c0_i32_0 = arith.constant 0 : i32
    %c0_i32_1 = arith.constant 0 : i32
    return %c0_i32, %c0_i32_0 : i32, i32
  }
  func.func @transform_11(%arg0: i32) -> (i32, i32) {
    %c0_i32 = arith.constant 0 : i32
    %c0_i32_0 = arith.constant 0 : i32
    %c0_i32_1 = arith.constant 0 : i32
    return %c0_i32, %c0_i32_0 : i32, i32
  }
  func.func @transform_12(%arg0: i32) -> (i32, i32) {
    %c0_i32 = arith.constant 0 : i32
    %c0_i32_0 = arith.constant 0 : i32
    return %arg0, %c0_i32 : i32, i32
  }
  func.func @transform_13(%arg0: i32) -> (i32, i32) {
    %c0_i32 = arith.constant 0 : i32
    %c0_i32_0 = arith.constant 0 : i32
    return %arg0, %c0_i32 : i32, i32
  }
}

module attributes {stable_mosaic.version = 14 : i64} {
  func.func @_node_body(%arg0: i32, %arg1: memref<2x1000x128xf32, #tpu.memory_space<vmem>>, %arg2: memref<2x1000x16xf32, #tpu.memory_space<vmem>>, %arg3: memref<1000x128xf32, #tpu.memory_space<vmem>>, %arg4: memref<1000x16xf32, #tpu.memory_space<vmem>>, %arg5: memref<128x128xf32, #tpu.memory_space<vmem>>, %arg6: memref<128x128xf32, #tpu.memory_space<vmem>>, %arg7: memref<1x128xf32, #tpu.memory_space<vmem>>, %arg8: memref<128x128xf32, #tpu.memory_space<vmem>>, %arg9: memref<1x128xf32, #tpu.memory_space<vmem>>, %arg10: memref<1000x128xf32, #tpu.memory_space<vmem>>, %arg11: memref<1000x16xf32, #tpu.memory_space<vmem>>) attributes {dimension_semantics = [#tpu.dimension_semantics<arbitrary>], iteration_bounds = array<i64: 10>, scalar_prefetch = 0 : i64, scratch_operands = 0 : i64, tpu.core_type = #tpu.core_type<tc>, window_params = [{transform_indices = @transform_0, window_bounds = array<i64: 2, 1000, 128>}, {transform_indices = @transform_1, window_bounds = array<i64: 2, 1000, 16>}, {transform_indices = @transform_2, window_bounds = array<i64: 1000, 128>}, {transform_indices = @transform_3, window_bounds = array<i64: 1000, 16>}, {pipeline_mode = #tpu.pipeline_mode<synchronous>, transform_indices = @transform_4, window_bounds = array<i64: 128, 128>}, {pipeline_mode = #tpu.pipeline_mode<synchronous>, transform_indices = @transform_5, window_bounds = array<i64: 128, 128>}, {pipeline_mode = #tpu.pipeline_mode<synchronous>, transform_indices = @transform_6, window_bounds = array<i64: 1, 128>}, {pipeline_mode = #tpu.pipeline_mode<synchronous>, transform_indices = @transform_7, window_bounds = array<i64: 128, 128>}, {pipeline_mode = #tpu.pipeline_mode<synchronous>, transform_indices = @transform_8, window_bounds = array<i64: 1, 128>}, {transform_indices = @transform_9, window_bounds = array<i64: 1000, 128>}, {transform_indices = @transform_10, window_bounds = array<i64: 1000, 16>}]} {
    %get3A = arith.constant 0 : index
    %get3A_0 = arith.constant 0 : index
    %get3A_1 = arith.constant 0 : index
    %get3A_2 = vector.load %arg1[%get3A, %get3A_0, %get3A_1] : memref<2x1000x128xf32, #tpu.memory_space<vmem>>, vector<1x1000x128xf32>
    %get3A_3 = vector.shape_cast %get3A_2 : vector<1x1000x128xf32> to vector<1000x128xf32>
    %get3A_4 = arith.constant 1 : index
    %get3A_5 = arith.constant 0 : index
    %get3A_6 = arith.constant 0 : index
    %get3A_7 = vector.load %arg1[%get3A_4, %get3A_5, %get3A_6] : memref<2x1000x128xf32, #tpu.memory_space<vmem>>, vector<1x1000x128xf32>
    %get3A_8 = vector.shape_cast %get3A_7 : vector<1x1000x128xf32> to vector<1000x128xf32>
    %add3A = arith.addf %get3A_3, %get3A_8 : vector<1000x128xf32>
    %get3A_9 = arith.constant 0 : index
    %get3A_10 = arith.constant 0 : index
    %get3A_11 = arith.constant 0 : index
    %get3A_12 = vector.load %arg2[%get3A_9, %get3A_10, %get3A_11] : memref<2x1000x16xf32, #tpu.memory_space<vmem>>, vector<1x1000x16xf32>
    %get3A_13 = vector.shape_cast %get3A_12 : vector<1x1000x16xf32> to vector<1000x16xf32>
    %get3A_14 = arith.constant 1 : index
    %get3A_15 = arith.constant 0 : index
    %get3A_16 = arith.constant 0 : index
    %get3A_17 = vector.load %arg2[%get3A_14, %get3A_15, %get3A_16] : memref<2x1000x16xf32, #tpu.memory_space<vmem>>, vector<1x1000x16xf32>
    %get3A_18 = vector.shape_cast %get3A_17 : vector<1x1000x16xf32> to vector<1000x16xf32>
    %add3A_19 = arith.addf %get3A_13, %get3A_18 : vector<1000x16xf32>
    %slice3A = vector.extract_strided_slice %add3A_19 {offsets = [0, 3], sizes = [1000, 1], strides = [1, 1]} : vector<1000x16xf32> to vector<1000x1xf32>
    %max3A = arith.constant 1.000000e+00 : f32
    %max3A_20 = vector.broadcast %max3A : f32 to vector<1000x1xf32>
    %max3A_21 = arith.maximumf %slice3A, %max3A_20 : vector<1000x1xf32>
    %get3A_22 = arith.constant 0 : index
    %get3A_23 = arith.constant 0 : index
    %get3A_24 = vector.load %arg4[%get3A_22, %get3A_23] : memref<1000x16xf32, #tpu.memory_space<vmem>>, vector<1000x16xf32>
    %div3A = vector.broadcast %max3A_21 : vector<1000x1xf32> to vector<1000x16xf32>
    %div3A_25 = arith.divf %add3A_19, %div3A : vector<1000x16xf32>
    %add3A_26 = arith.addf %get3A_24, %div3A_25 : vector<1000x16xf32>
    %swap3A = arith.constant 0 : index
    %swap3A_27 = arith.constant 0 : index
    %swap3A_28 = vector.load %arg11[%swap3A, %swap3A_27] : memref<1000x16xf32, #tpu.memory_space<vmem>>, vector<1000x16xf32>
    tpu.vector_store %arg11[%swap3A, %swap3A_27], %add3A_26 {strides = array<i32>} : memref<1000x16xf32, #tpu.memory_space<vmem>>, vector<1000x16xf32>,
    %get3A_29 = arith.constant 0 : index
    %get3A_30 = arith.constant 0 : index
    %get3A_31 = vector.load %arg3[%get3A_29, %get3A_30] : memref<1000x128xf32, #tpu.memory_space<vmem>>, vector<1000x128xf32>
    %get3A_32 = arith.constant 0 : index
    %get3A_33 = arith.constant 0 : index
    %get3A_34 = vector.load %arg5[%get3A_32, %get3A_33] : memref<128x128xf32, #tpu.memory_space<vmem>>, vector<128x128xf32>
    %dot_general3A = arith.constant dense<0.000000e+00> : vector<1000x128xf32>
    %dot_general3A_35 = tpu.matmul %get3A_31, %get3A_34, %dot_general3A {dimension_numbers = #tpu.dot_dimension_numbers<[1], [0], [0], [1], [0, 0, 1, 1], [], []>, transpose_lhs_hint = false} : vector<1000x128xf32>, vector<128x128xf32>, vector<1000x128xf32> -> vector<1000x128xf32>
    %get3A_36 = arith.constant 0 : index
    %get3A_37 = arith.constant 0 : index
    %get3A_38 = vector.load %arg6[%get3A_36, %get3A_37] : memref<128x128xf32, #tpu.memory_space<vmem>>, vector<128x128xf32>
    %dot_general3A_39 = arith.constant dense<0.000000e+00> : vector<1000x128xf32>
    %dot_general3A_40 = tpu.matmul %add3A, %get3A_38, %dot_general3A_39 {dimension_numbers = #tpu.dot_dimension_numbers<[1], [0], [0], [1], [0, 0, 1, 1], [], []>, transpose_lhs_hint = false} : vector<1000x128xf32>, vector<128x128xf32>, vector<1000x128xf32> -> vector<1000x128xf32>
    %add3A_41 = arith.addf %dot_general3A_35, %dot_general3A_40 : vector<1000x128xf32>
    %get3A_42 = arith.constant 0 : index
    %get3A_43 = arith.constant 0 : index
    %get3A_44 = vector.load %arg7[%get3A_42, %get3A_43] : memref<1x128xf32, #tpu.memory_space<vmem>>, vector<1x128xf32>
    %add3A_45 = vector.broadcast %get3A_44 : vector<1x128xf32> to vector<1000x128xf32>
    %add3A_46 = arith.addf %add3A_41, %add3A_45 : vector<1000x128xf32>
    %neg3A = arith.constant 0.000000e+00 : f32
    %neg3A_47 = vector.broadcast %neg3A : f32 to vector<1000x128xf32>
    %neg3A_48 = arith.subf %neg3A_47, %add3A_46 : vector<1000x128xf32>
    %exp3A = math.exp %neg3A_48 : vector<1000x128xf32>
    %add3A_49 = arith.constant 1.000000e+00 : f32
    %add3A_50 = vector.broadcast %add3A_49 : f32 to vector<1000x128xf32>
    %add3A_51 = arith.addf %add3A_50, %exp3A : vector<1000x128xf32>
    %div3A_52 = arith.divf %add3A_46, %add3A_51 : vector<1000x128xf32>
    %get3A_53 = arith.constant 0 : index
    %get3A_54 = arith.constant 0 : index
    %get3A_55 = vector.load %arg8[%get3A_53, %get3A_54] : memref<128x128xf32, #tpu.memory_space<vmem>>, vector<128x128xf32>
    %dot_general3A_56 = arith.constant dense<0.000000e+00> : vector<1000x128xf32>
    %dot_general3A_57 = tpu.matmul %div3A_52, %get3A_55, %dot_general3A_56 {dimension_numbers = #tpu.dot_dimension_numbers<[1], [0], [0], [1], [0, 0, 1, 1], [], []>, transpose_lhs_hint = false} : vector<1000x128xf32>, vector<128x128xf32>, vector<1000x128xf32> -> vector<1000x128xf32>
    %add3A_58 = arith.addf %get3A_31, %dot_general3A_57 : vector<1000x128xf32>
    %get3A_59 = arith.constant 0 : index
    %get3A_60 = arith.constant 0 : index
    %get3A_61 = vector.load %arg9[%get3A_59, %get3A_60] : memref<1x128xf32, #tpu.memory_space<vmem>>, vector<1x128xf32>
    %add3A_62 = vector.broadcast %get3A_61 : vector<1x128xf32> to vector<1000x128xf32>
    %add3A_63 = arith.addf %add3A_58, %add3A_62 : vector<1000x128xf32>
    %swap3A_64 = arith.constant 0 : index
    %swap3A_65 = arith.constant 0 : index
    %swap3A_66 = vector.load %arg10[%swap3A_64, %swap3A_65] : memref<1000x128xf32, #tpu.memory_space<vmem>>, vector<1000x128xf32>
    tpu.vector_store %arg10[%swap3A_64, %swap3A_65], %add3A_63 {strides = array<i32>} : memref<1000x128xf32, #tpu.memory_space<vmem>>, vector<1000x128xf32>,
    return
  }
  func.func @transform_0(%arg0: i32) -> (i32, i32, i32) {
    %c0_i32 = arith.constant 0 : i32
    %c0_i32_0 = arith.constant 0 : i32
    %c0_i32_1 = arith.constant 0 : i32
    return %c0_i32, %arg0, %c0_i32_0 : i32, i32, i32
  }
  func.func @transform_1(%arg0: i32) -> (i32, i32, i32) {
    %c0_i32 = arith.constant 0 : i32
    %c0_i32_0 = arith.constant 0 : i32
    %c0_i32_1 = arith.constant 0 : i32
    return %c0_i32, %arg0, %c0_i32_0 : i32, i32, i32
  }
  func.func @transform_2(%arg0: i32) -> (i32, i32) {
    %c0_i32 = arith.constant 0 : i32
    %c0_i32_0 = arith.constant 0 : i32
    return %arg0, %c0_i32 : i32, i32
  }
  func.func @transform_3(%arg0: i32) -> (i32, i32) {
    %c0_i32 = arith.constant 0 : i32
    %c0_i32_0 = arith.constant 0 : i32
    return %arg0, %c0_i32 : i32, i32
  }
  func.func @transform_4(%arg0: i32) -> (i32, i32) {
    %c0_i32 = arith.constant 0 : i32
    %c0_i32_0 = arith.constant 0 : i32
    %c0_i32_1 = arith.constant 0 : i32
    return %c0_i32, %c0_i32_0 : i32, i32
  }
  func.func @transform_5(%arg0: i32) -> (i32, i32) {
    %c0_i32 = arith.constant 0 : i32
    %c0_i32_0 = arith.constant 0 : i32
    %c0_i32_1 = arith.constant 0 : i32
    return %c0_i32, %c0_i32_0 : i32, i32
  }
  func.func @transform_6(%arg0: i32) -> (i32, i32) {
    %c0_i32 = arith.constant 0 : i32
    %c0_i32_0 = arith.constant 0 : i32
    %c0_i32_1 = arith.constant 0 : i32
    return %c0_i32, %c0_i32_0 : i32, i32
  }
  func.func @transform_7(%arg0: i32) -> (i32, i32) {
    %c0_i32 = arith.constant 0 : i32
    %c0_i32_0 = arith.constant 0 : i32
    %c0_i32_1 = arith.constant 0 : i32
    return %c0_i32, %c0_i32_0 : i32, i32
  }
  func.func @transform_8(%arg0: i32) -> (i32, i32) {
    %c0_i32 = arith.constant 0 : i32
    %c0_i32_0 = arith.constant 0 : i32
    %c0_i32_1 = arith.constant 0 : i32
    return %c0_i32, %c0_i32_0 : i32, i32
  }
  func.func @transform_9(%arg0: i32) -> (i32, i32) {
    %c0_i32 = arith.constant 0 : i32
    %c0_i32_0 = arith.constant 0 : i32
    return %arg0, %c0_i32 : i32, i32
  }
  func.func @transform_10(%arg0: i32) -> (i32, i32) {
    %c0_i32 = arith.constant 0 : i32
    %c0_i32_0 = arith.constant 0 : i32
    return %arg0, %c0_i32 : i32, i32
  }
}

</mosaic_0001>

<sc_bundles>
// kernel: kernel.11.cloned.1.call-start
scs
__scs_entry_jumppad:
0x0: {  	(pc) =	sbr.rel $0x88, $3  }
0x1: {  	(tag) =	ssettag $0x0;
	lr =	simm.s32 $0x1  }
0x2: {  	[smem:$0x3F92] =	sst lr;
	_ =	strace $0xD0000000  }
0x3: {  	_ = 	snop  }
0x4: {  	_ = 	snop  }
0x5: {  	_ = 	snop  }
0x6: {  	_ = 	snop  }
0x7: {  	_ = 	snop  }
__scs_overlays_trampoline_lowered:
0x8: {  	[smem:$0x3FA1] =	sst s0  }
0x9: {  	[smem:$0x3FA2] =	sst s1  }
0xa: {  	[smem:$0x3FA3] =	sst s2  }
0xb: {  	[smem:$0x3FA4] =	sst s3  }
0xc: {  	[smem:$0x3FA5] =	sst s4  }
0xd: {  	[smem:$0x3FA6] =	sst s5  }
0xe: {  	[smem:$0x3FA7] =	sst s6  }
0xf: {  	[smem:$0x3FA8] =	sst s7  }
0x10: {  	[smem:$0x3FA9] =	sst s8  }
0x11: {  	[smem:$0x3FAA] =	sst s9;
	s0 =	simm.s32 @!p0 $0x0  }
0x12: {  	s1 =	sld [smem:$0x3F90];
	s0 =	simm.s32 @p0 $0x1  }
0x13: {  	[smem:$0x3FAB] =	sst s0;
	s0 =	simm.s32 @!p1 $0x0  }
0x14: {  	s2 =	sld [smem:$0x3F8F];
	s0 =	simm.s32 @p1 $0x1  }
0x15: {  	[smem:$0x3FAC] =	sst s0;
	s0 =	simm.s32 @!p2 $0x0  }
0x16: {  	s3 =	sld [smem:$0x3FDB];
	s0 =	simm.s32 @p2 $0x1  }
0x17: {  	s4 =	simm.s32 $0x1BF5;
	[smem:$0x3FAE] =	sst s0  }
0x18: {  	s0 =	sld [smem:$0x3F91];
	_ =	swait.ge [sflag:s4], $0x0  }
0x19: {  	s7 =	sld [smem:$0x3F92]  }
0x1a: {  	s8 =	sadd.s32 $0xFFFFE003, lr  }
0x1b: {  	s9 =	sadd.s32 $0xFFFFFEF7, lr;
	s5 =	simm.s32 $0xFFFFFFFF;
	p2 =	slt.u32 s8, $0xFFFFF086  }
0x1c: {  	p1 =	slt.u32 s9, $0xF7A;
	s5 =	simm.s32 @!p2 $0x0  }
0x1d: {  	s5 =	simm.s32 @p1 $0x1;
	p0 =	seq.s32 s7, s2  }
0x1e: {  	s7 =	smul.u32 @!p0 $0xF7A, s2;
	p2 =	seq.s32 @!p0 s5, $0x0  }
0x1f: {  	s9 =	smul.u32 $0xF7A, s1;
	s8 =	simm.s32 @!p0 $0x1BF5;
	p2 =	por !p2, p0  }
0x20: {  	[sflag:s8] =	ssyncset.s32 @!p0 $0xFFFFF086;
	s6 =	sadd.s32 @!p0 s3, s7;
	s7 =	simm.s32 @!p0 $0x108  }
0x21: {  	s3 =	sadd.s32 s3, s9;
	s6 =	sadd.s32 @!p0 $0x88, s6;
	s7 =	simm.s32 @p2 $0x1082  }
0x22: {  	[simem:s7], [sflag:s8] =	dma.local @!p0 [hbm:s6], $0xF7A  }
0x23: {  	s9 =	sor.u32 $0xD0000000, s2;
	s6 =	simm.s32 $0x108;
	_ =	swait.ge @!p0 [sflag:s8], $0x0  }
0x24: {  	s3 =	sadd.s32 $0x88, s3;
	s6 =	simm.s32 @!p1 $0x1082;
	[sflag:s4] =	ssyncset.s32 $0xFFFFF086  }
0x25: {  	[simem:s6], [sflag:s4] =	dma.local [hbm:s3], $0xF7A  }
0x26: {  	[smem:$0x3F92] =	sst s1;
	(tag) =	ssettag s2;
	_ =	strace s9  }
0x27: {  	s1 =	sld [smem:$0x3FA2]  }
0x28: {  	s2 =	sld [smem:$0x3FA3]  }
0x29: {  	s4 =	sld [smem:$0x3FA5]  }
0x2a: {  	p0 =	seq.s32 s5, $0x0;
	s5 =	sld [smem:$0x3FA6]  }
0x2b: {  	s6 =	sld [smem:$0x3FA7]  }
0x2c: {  	s7 =	sld [smem:$0x3FA8]  }
0x2d: {  	s3 =	simm.s32 $0x108;
	s8 =	sld [smem:$0x3FA9]  }
0x2e: {  	s3 =	simm.s32 @!p0 $0x1082;
	s9 =	sld [smem:$0x3FAA]  }
0x2f: {  	lr =	sadd.s32 s0, s3;
	s0 =	sld [smem:$0x3FA1]  }
0x30: {  	s3 =	sld [smem:$0x3FA4]  }
0x31: {  	[smem:$0x3FAD] =	sst s10  }
0x32: {  	s10 =	sld [smem:$0x3FAB];
	_ =	sdelay $0x3  }
0x33: {  	p0 =	seq.s32 s10, $0x1;
	s10 =	sld [smem:$0x3FAD];
	_ =	sdelay $0x3  }
0x34: {  	[smem:$0x3FAD] =	sst s10  }
0x35: {  	s10 =	sld [smem:$0x3FAC];
	_ =	sdelay $0x3  }
0x36: {  	p1 =	seq.s32 s10, $0x1;
	s10 =	sld [smem:$0x3FAD];
	_ =	sdelay $0x3  }
0x37: {  	[smem:$0x3FAD] =	sst s10  }
0x38: {  	s10 =	sld [smem:$0x3FAE]  }
0x39: {  	_ = 	snop;
	(pc) =	sbr.ind lr, $3  }
0x3a: {  	_ = 	snop  }
0x3b: {  	_ = 	snop  }
0x3c: {  	p2 =	seq.s32 s10, $0x1;
	s10 =	sld [smem:$0x3FAD]  }
0x3d: {  	_ =	shalt  }
0x3e: {  	_ =	shalt  }
0x3f: {  	_ =	shalt  }
0x40: {  	_ =	shalt  }
0x41: {  	_ =	shalt  }
0x42: {  	_ =	shalt  }
0x43: {  	_ =	shalt  }
0x44: {  	_ =	shalt  }
0x45: {  	_ =	shalt  }
0x46: {  	_ =	shalt  }
0x47: {  	_ =	shalt  }
0x48: {  	_ =	shalt  }
0x49: {  	_ =	shalt  }
0x4a: {  	_ =	shalt  }
0x4b: {  	_ =	shalt  }
0x4c: {  	_ =	shalt  }
0x4d: {  	_ =	shalt  }
0x4e: {  	_ =	shalt  }
0x4f: {  	_ =	shalt  }
0x50: {  	_ =	shalt  }
0x51: {  	_ =	shalt  }
0x52: {  	_ =	shalt  }
0x53: {  	_ =	shalt  }
0x54: {  	_ =	shalt  }
0x55: {  	_ =	shalt  }
0x56: {  	_ =	shalt  }
0x57: {  	_ =	shalt  }
0x58: {  	_ =	shalt  }
0x59: {  	_ =	shalt  }
0x5a: {  	_ =	shalt  }
0x5b: {  	_ =	shalt  }
0x5c: {  	_ =	shalt  }
0x5d: {  	_ =	shalt  }
0x5e: {  	_ =	shalt  }
0x5f: {  	_ =	shalt  }
0x60: {  	_ =	shalt  }
0x61: {  	_ =	shalt  }
0x62: {  	_ =	shalt  }
0x63: {  	_ =	shalt  }
0x64: {  	_ =	shalt  }
0x65: {  	_ =	shalt  }
0x66: {  	_ =	shalt  }
0x67: {  	_ =	shalt  }
0x68: {  	_ =	shalt  }
0x69: {  	_ =	shalt  }
0x6a: {  	_ =	shalt  }
0x6b: {  	_ =	shalt  }
0x6c: {  	_ =	shalt  }
0x6d: {  	_ =	shalt  }
0x6e: {  	_ =	shalt  }
0x6f: {  	_ =	shalt  }
0x70: {  	_ =	shalt  }
0x71: {  	_ =	shalt  }
0x72: {  	_ =	shalt  }
0x73: {  	_ =	shalt  }
0x74: {  	_ =	shalt  }
0x75: {  	_ =	shalt  }
0x76: {  	_ =	shalt  }
0x77: {  	_ =	shalt  }
0x78: {  	_ =	shalt  }
0x79: {  	_ =	shalt  }
0x7a: {  	_ =	shalt  }
0x7b: {  	_ =	shalt  }
0x7c: {  	_ =	shalt  }
0x7d: {  	_ =	shalt  }
0x7e: {  	_ =	shalt  }
0x7f: {  	_ =	shalt  }
0x80: {  	_ =	shalt  }
0x81: {  	_ =	shalt  }
0x82: {  	_ =	shalt  }
0x83: {  	_ =	shalt  }
0x84: {  	_ =	shalt  }
0x85: {  	_ =	shalt  }
0x86: {  	_ =	shalt  }
0x87: {  	_ =	shalt  }
.Lfunc_end0:
.L_simem_size_0:
called_computation.1_lowered:
.L_overlay_start_0:
0x88: {  	s2 =	sld [smem:$0x3FD9]  }
0x89: {  	s3 =	sld [smem:$0x3FFE];
	_ =	sdelay $0x1  }
0x8a: {  	s1 =	srdreg.scid  }
0x8b: {  	s0 =	sand.u32 $0x1, s1  }
0x8c: {  	s15 =	sshll.u32 s0, $0xA;
	s2 =	sadd.s32 s3, s2  }
0x8d: {  	s2 =	sadd.s32 s2, s15  }
0x8e: {  	[smem:$0x3FB9] =	sst s2  }
0x8f: {  	_ = 	snop  }
0x90: {  	s2 =	sld [smem:$0x3FD0];
	_ =	sdelay $0x2  }
0x91: {  	s16 =	simm.s32 $0xB;
	s4 =	simm.s32 $0x10  }
0x92: {  	[smem:s4], [sflag:s16] =	dma.local [hbm:s2], $0x1  }
0x93: {  	_ =	swait.eq [sflag:s16], $0x1  }
0x94: {  	[sflag:s16] =	ssyncset.done $0x0  }
0x95: {  	[sflag:s16] =	ssyncadd.s32 $0xFFFFFFFF  }
0x96: {  	s17 =	sld [smem:$0x10];
	(tm) =	ssettm $0x1  }
0x97: {  	s18 =	sld [smem:$0x3FFB];
	_ =	sdelay $0x3  }
0x98: {  	_ =	strace s18  }
0x99: {  	s2 =	sld [smem:$0x3FFC];
	_ =	sdelay $0x3  }
0x9a: {  	_ =	strace s2  }
0x9b: {  	s2 =	sld [smem:$0x3FFD];
	_ =	sdelay $0x3  }
0x9c: {  	_ =	strace s2  }
0x9d: {  	_ =	strace $0x8FFFFFFF  }
0x9e: {  	s19 =	sld [smem:$0x3FDB];
	_ =	sdelay $0x1  }
0x9f: {  	s20 =	simm.s32 $_scs_section_size  }
0xa0: {  	s5 =	simm.s32 $_size__tile_overlayer_lowered;
	s6 =	simm.s32 $_tile_overlayer_lowered  }
0xa1: {  	s7 =	simm.s32 $0x1BFF;
	s21 =	sshll.u32 s6, $0x1;
	s4 =	sadd.s32 s20, s19  }
0xa2: {  	s22 =	simm.s32 $0x0;
	s5 =	sshll.u32 s5, $0x1;
	s6 =	sadd.s32 s21, s4  }
0xa3: {  	[timem:s22], [sflag:s7] =	dma.local [hbm:s6], s5  }
0xa4: {  	_ =	swait.ge [sflag:s7], s5  }
0xa5: {  	s5 =	ssub.s32 $0x0, s5;
	[sflag:s7] =	ssyncset.done $0x0  }
0xa6: {  	[sflag:s7] =	ssyncadd.s32 s5;
	_ =	sdelay $0x1  }
0xa7: {  	s23 =	simm.s32 $0x1B8B  }
0xa8: {  	_ =	swait.ge [sflag:s23], $0x1  }
0xa9: {  	[sflag:s23] =	ssyncset.done $0x0  }
0xaa: {  	[sflag:s23] =	ssyncadd.s32 $0xFFFFFFFF  }
0xab: {  	s5 =	sld [smem:$0x0]  }
0xac: {  	s6 =	sand.u32 $0xFFFFFFFE, s1  }
0xad: {  	p0 =	sne.s32 s1, s6  }
0xae: {  	s6 =	sshll.u32 @p0 s6, $0xE  }
0xaf: {  	s6 =	sadd.s32 @p0 $0x11B8D, s6;
	s7 =	sshll.u32 @p0 s5, $0x11  }
0xb0: {  	s6 =	sor.u32 @p0 s7, s6  }
0xb1: {  	[sflag:s6] =	ssyncadd.remote.s32 @p0 $0x1;
	_ =	sdelay $0x1  }
0xb2: {  	s6 =	simm.s32 @p0 $0x1B8D  }
0xb3: {  	_ =	swait.eq @p0 [sflag:s6], $0x1  }
0xb4: {  	[sflag:s6] =	ssyncadd.s32 @p0 $0xFFFFFFFF  }
0xb5: {  	s7 =	sshll.u32 @!p0 s1, $0xE  }
0xb6: {  	s7 =	sor.u32 @!p0 $0x4000, s7;
	s6 =	simm.s32 @!p0 $0x1B8D  }
0xb7: {  	s5 =	sshll.u32 @!p0 s5, $0x11;
	s7 =	sadd.s32 @!p0 $0x11B8D, s7;
	_ =	swait.eq @!p0 [sflag:s6], $0x1  }
0xb8: {  	s5 =	sor.u32 @!p0 s5, s7;
	[sflag:s6] =	ssyncadd.s32 @!p0 $0xFFFFFFFF  }
0xb9: {  	s25 =	simm.s32 $0x1B8E;
	s24 =	sld [smem:$0x3FFE];
	[sflag:s5] =	ssyncadd.remote.s32 @!p0 $0x1  }
0xba: {  	s26 =	simm.s32 $execute0_lowered;
	[smem:$0x3FD2] =	sst s25  }
0xbb: {  	s6 =	sshll.u32 s26, $0x1;
	_ =	strace $0x8000004C;
	[dreg:$0x1] =	wrdreg $0xFFFFFFFF  }
0xbc: {  	s28 =	simm.s32 $_size_execute0_lowered;
	s4 =	sadd.s32 s4, s6;
	[dreg:$0x0] =	wrdreg $0x0  }
0xbd: {  	s6 =	sshll.u32 s28, $0x1;
	[dreg:$0x2] =	wrdreg s4  }
0xbe: {  	[dreg:$0x3] =	wrdreg s6  }
0xbf: {  	[dreg:$0x4] =	wrdreg $0xC0  }
0xc0: {  	_ =	task [dreg:s22], $0x5FFFF  }
0xc1: {  	[dreg:$0x1] =	wrdreg $0xFFFFFFFF  }
0xc2: {  	[dreg:$0x0] =	wrdreg $0x60  }
0xc3: {  	[dreg:$0x2] =	wrdreg s24  }
0xc4: {  	[dreg:$0x3] =	wrdreg s17  }
0xc5: {  	[dreg:$0x4] =	wrdreg $0xA8000  }
0xc6: {  	[dreg:$0x5] =	wrdreg $0x9  }
0xc7: {  	_ =	task.clear_ibuf [dreg:s22], $0x6FFFF;
	_ =	strace $0x9000004C  }
0xc8: {  	s29 =	simm.s32 $0x9;
	_ =	strace $0x8000004E  }
0xc9: {  	_ =	swait.ge [sflag:s29], $0x1  }
0xca: {  	[sflag:s29] =	ssyncadd.s32 $0xFFFFFFFF  }
0xcb: {  	_ =	strace $0x9000004E  }
0xcc: {  	_ =	sfence  }
0xcd: {  	s30 =	sld [smem:$0x0];
	_ =	sdelay $0x2  }
0xce: {  	s31 =	sshll.u32 s1, $0xD;
	s1 =	sshrl.u32 s1, $0x2  }
0xcf: {  	s4 =	sand.u32 $0x4000, s31;
	s1 =	sadd.s32 s1, s30  }
0xd0: {  	s0 =	sor.u32 s4, s0;
	s1 =	sshll.u32 s1, $0x11  }
0xd1: {  	s0 =	sor.u32 s1, s0  }
0xd2: {  	s0 =	sadd.s32 $0x8F2B, s0  }
0xd3: {  	[sflag:s0] =	ssyncadd.remote.s32 $0x1  }
0xd4: {  	_ =	sfence.sel $0xFFFF  }
0xd5: {  	[dreg:$0x0] =	wrdreg $0xFFFFFFFF;
	(pc) =	sbr.abs _section_cstart, $3  }
0xd6: {  	[dreg:$0x1] =	wrdreg $0xFFFFFFFF  }
0xd7: {  	_ =	task.clear_ibuf [dreg:s22], $0x2FFFF;
	_ =	strace $0x9FFFFFFF  }
0xd8: {  	(tm) =	ssettm $0x7FFFFFFF  }
0xd9: {  	_ =	shalt  }
tec
execute0_lowered:
.L_overlay_start_1:
0x0: {  	(tag) =	ssettag $0x1  }
0x1: {  	s4 =	rddreg [dreg:$0x0]  }
0x2: {  	s6 =	rddreg [dreg:$0x1]  }
0x3: {  	s2 =	rddreg [dreg:$0x2]  }
0x4: {  	s0 =	rddreg [dreg:$0x3];
	s3 =	simm.s32 $0x0;
	s5 =	srdreg.scid  }
0x5: {  	s1 =	stileid.u32;
	s19 =	simm.s32 $0x1;
	s20 =	simm.s32 $0x28  }
0x6: {  	s21 =	simm.s32 $0x2;
	[smem:$0x7FF] =	sst s3;
	s10 =	smul.u32 $0x4E000, s1  }
0x7: {  	s9 =	sand.u32 $0x1, s5;
	s22 =	sshll.u32 s1, $0x1;
	s12 =	smul.u32 $0x13800, s1  }
0x8: {  	s13 =	sadd.s32 $0x13A0E00, s4;
	s14 =	sadd.s32 $0x42C00, s4;
	s17 =	sadd.s32 $0x138000, s2  }
0x9: {  	s28 =	smul.u32 $0x4E200, s1;
	s31 =	sshll.u32 s1, $0x6;
	p0 =	sne.s32 s1, $0xF  }
0xa: {  	_ =	strace $0x8000004D;
	s7 =	sor.u32 s9, s22;
	s26 =	smul.u32 $0x138800, s9  }
0xb: {  	s8 =	ssub.s32 $0x2, s9;
	s18 =	smul.u32 $0x27100, s9;
	s22 =	simm.s32 $0x3  }
0xc: {  	s5 =	sshll.u32 s7, $0xC;
	s11 =	sshrl.u32 s8, $0x1;
	s15 =	smul.u32 $0x138800, s7  }
0xd: {  	s23 =	sshrl.u32 s10, $0x2;
	s24 =	sshrl.u32 s12, $0x3;
	s7 =	smul.u32 $0x27100, s7  }
0xe: {  	s30 =	sadd.s32 s28, s13;
	s5 =	sadd.s32 s5, s4;
	s11 =	ssub.s32 s8, s11  }
0xf: {  	s16 =	sadd.s32 s23, s2;
	s12 =	sadd.s32 s12, s26;
	s10 =	sshrl.u32 s26, $0x3  }
0x10: {  	s23 =	simm.s32 $0x4;
	s26 =	simm.s32 $0x0;
	s4 =	sadd.s32 $0x22C00, s5  }
0x11: {  	s5 =	sadd.s32 s6, s24;
	s25 =	sshrl.u32 s15, $0x3;
	s6 =	sadd.s32 $0x27000, s6  }
0x12: {  	s7 =	sadd.s32 s13, s7;
	s29 =	sshrl.u32 s12, $0x3;
	s10 =	sadd.s32 s14, s10  }
0x13: {  	s12 =	sadd.s32 s18, s30;
	s11 =	smax.u32 s11, $0x1;
	s15 =	sshrl.u32 s16, $0x3  }
0x14: {  	s16 =	sshrl.u32 @!p0 s17, $0x3;
	s17 =	simm.s32 $0x8000;
	s18 =	simm.s32 $0x9400  }
0x15: {  	s24 =	simm.s32 $0x7C00;
	s8 =	sadd.s32 s13, s25;
	s9 =	sadd.s32 s14, s29  }
0x16: {  	s10 =	sadd.s32 $0x27000, s10;
	s12 =	sadd.s32 $0x780, s12;
	s13 =	simm.s32 $0x5  }
0x17: {  	s14 =	sor.u32 $0x1C05, s31;
	s25 =	simm.s32 $0x7C80;
	s8 =	sadd.s32 $0x280, s8  }
.LBB2_1:
0x18: {  	[tilespmem:s3], [sflag:$0x5] =	stream.linear.gather [hbm4b:s4+s3], $0x7D00, $0x38;
	[tilespmem:$0x1E080] =	vst v63  }
0x19: {  	_ =	swait.ge [sflag:s13], $0x7D00  }
0x1a: {  	[sflag:s13] =	ssyncset.done $0x0  }
0x1b: {  	[sflag:s13] =	ssyncadd.s32 $0xFFFF8300  }
0x1c: {  	[spmem:s15], [sflag:s14] =	dma.local [hbm:s5], $0x2700  }
0x1d: {  	_ =	swait.ge [sflag:s13], $0x2700  }
0x1e: {  	[sflag:s13] =	ssyncset.done $0x0  }
0x1f: {  	s28 =	simm.s32 @!p0 $0x5;
	[sflag:s13] =	ssyncadd.s32 $0xFFFFD900  }
0x20: {  	[spmem:s16], [sflag:s14] =	dma.local @!p0 [hbm:s6], $0x100  }
0x21: {  	_ =	swait.ge @!p0 [sflag:s28], $0x100  }
0x22: {  	[sflag:s28] =	ssyncset.done @!p0 $0x0  }
0x23: {  	[sflag:s28] =	ssyncadd.s32 @!p0 $0xFFFFFF00  }
0x24: {  	[bflag:$0x0] =	sbarrier.arrive $0xFFFF  }
0x25: {  	[tilespmem:s17], [sflag:$0x1] =	stream.linear.gather [hbm4b:s7+s3], $0x1400, $0x38;
	[tilespmem:$0x1E080] =	vst v63  }
0x26: {  	_ = 	snop  }
0x27: {  	[tilespmem:s18], [sflag:$0x2] =	stream.linear.gather [hbm4b:s8+s3], $0x1400, $0x38;
	[tilespmem:$0x1E080] =	vst v63  }
0x28: {  	_ =	swait.ge [sflag:s19], $0x1400  }
0x29: {  	[sflag:s19] =	ssyncset.done $0x0  }
0x2a: {  	s28 =	simm.s32 $0x0;
	[sflag:s19] =	ssyncadd.s32 $0xFFFFEC00  }
0x2b: {  	[spmem:s2] =	stream.indirect.scatter.add.f32 [tilespmem:s17], [sflag:$0x3], $0x80, s28, s20, $0xb8;
	[tilespmem:$0x1E080] =	vst v63  }
0x2c: {  	_ =	swait.ge [sflag:s21], $0x1400  }
0x2d: {  	[sflag:s21] =	ssyncset.done $0x0  }
0x2e: {  	s28 =	simm.s32 $0x80;
	[sflag:s21] =	ssyncadd.s32 $0xFFFFEC00  }
0x2f: {  	[spmem:s2] =	stream.indirect.scatter.add.f32 [tilespmem:s18], [sflag:$0x4], $0x80, s28, s20, $0xb8;
	[tilespmem:$0x1E080] =	vst v63  }
0x30: {  	_ =	swait.ge [sflag:s22], $0x1400  }
0x31: {  	[sflag:s22] =	ssyncset.done $0x0  }
0x32: {  	s28 =	sadd.s32 $0xFFFFFD80, s12;
	[sflag:s22] =	ssyncadd.s32 $0xFFFFEC00  }
0x33: {  	[tilespmem:s17], [sflag:$0x1] =	stream.linear.gather [hbm4b:s28+s3], $0x1400, $0x38;
	[tilespmem:$0x1E080] =	vst v63  }
0x34: {  	_ =	swait.ge [sflag:s23], $0x1400  }
0x35: {  	s29 =	sadd.s32 $0x500, s12;
	[sflag:s23] =	ssyncset.done $0x0  }
0x36: {  	s30 =	smov.u32 s12;
	s28 =	simm.s32 $0x400;
	[sflag:s23] =	ssyncadd.s32 $0xFFFFEC00  }
.LBB2_2:
0x37: {  	[tilespmem:s18], [sflag:$0x2] =	stream.linear.gather [hbm4b:s30+s3], $0x1400, $0x38;
	[tilespmem:$0x1E080] =	vst v63  }
0x38: {  	s31 =	smov.u32 s28;
	s30 =	smov.u32 s29  }
0x39: {  	p1 =	sne.s32 s28, $0x1EC00;
	s28 =	sadd.s32 $0x400, s28;
	_ =	swait.ge [sflag:s19], $0x1400  }
0x3a: {  	[sflag:s19] =	ssyncset.done $0x0  }
0x3b: {  	s31 =	sshra.s32 s31, $0x2;
	[sflag:s19] =	ssyncadd.s32 $0xFFFFEC00  }
0x3c: {  	[spmem:s2] =	stream.indirect.scatter.add.f32 [tilespmem:s17], [sflag:$0x3], $0x80, s31, s20, $0xb8;
	[tilespmem:$0x1E080] =	vst v63  }
0x3d: {  	_ =	swait.ge [sflag:s21], $0x1400  }
0x3e: {  	[sflag:s21] =	ssyncset.done $0x0  }
0x3f: {  	s31 =	sadd.s32 $0x80, s31;
	[sflag:s21] =	ssyncadd.s32 $0xFFFFEC00  }
0x40: {  	[spmem:s2] =	stream.indirect.scatter.add.f32 [tilespmem:s18], [sflag:$0x4], $0x80, s31, s20, $0xb8;
	[tilespmem:$0x1E080] =	vst v63  }
0x41: {  	_ =	swait.ge [sflag:s22], $0x1400  }
0x42: {  	[sflag:s22] =	ssyncset.done $0x0  }
.Ltmp0:
0x43: {  	s31 =	sadd.s32 $0xFFFFFD80, s29;
	[sflag:s22] =	ssyncadd.s32 $0xFFFFEC00;
	(pc) =	sbr.rel @p1 .LBB2_2-.Ltmp0, $4  }
0x44: {  	[tilespmem:s17], [sflag:$0x1] =	stream.linear.gather [hbm4b:s31+s3], $0x1400, $0x38;
	[tilespmem:$0x1E080] =	vst v63  }
0x45: {  	_ =	swait.ge [sflag:s23], $0x1400  }
0x46: {  	[sflag:s23] =	ssyncset.done $0x0  }
0x47: {  	s29 =	sadd.s32 $0x500, s29;
	[sflag:s23] =	ssyncadd.s32 $0xFFFFEC00  }
0x48: {  	[tilespmem:s18], [sflag:$0x2] =	stream.linear.gather [hbm4b:s30+s3], $0x1400, $0x38;
	[tilespmem:$0x1E080] =	vst v63  }
0x49: {  	_ =	swait.ge [sflag:s19], $0x1400  }
0x4a: {  	[sflag:s19] =	ssyncset.done $0x0  }
0x4b: {  	[sflag:s19] =	ssyncadd.s32 $0xFFFFEC00  }
0x4c: {  	[spmem:s2] =	stream.indirect.scatter.add.f32 [tilespmem:s17], [sflag:$0x3], $0x80, s24, s20, $0xb8;
	[tilespmem:$0x1E080] =	vst v63  }
0x4d: {  	_ =	swait.ge [sflag:s21], $0x1400  }
0x4e: {  	[sflag:s21] =	ssyncset.done $0x0  }
0x4f: {  	[sflag:s21] =	ssyncadd.s32 $0xFFFFEC00  }
0x50: {  	[spmem:s2] =	stream.indirect.scatter.add.f32 [tilespmem:s18], [sflag:$0x4], $0x80, s25, s20, $0xb8;
	[tilespmem:$0x1E080] =	vst v63  }
0x51: {  	_ =	swait.ge [sflag:s22], $0x1400  }
0x52: {  	[sflag:s22] =	ssyncset.done $0x0  }
0x53: {  	[sflag:s22] =	ssyncadd.s32 $0xFFFFEC00  }
0x54: {  	_ =	swait.ge [sflag:s23], $0x1400  }
0x55: {  	[sflag:s23] =	ssyncset.done $0x0  }
0x56: {  	[sflag:s23] =	ssyncadd.s32 $0xFFFFEC00  }
0x57: {  	[bflag:$0x0] =	sbarrier.arrive $0xFFFF  }
0x58: {  	[hbm:s9], [sflag:s14] =	dma.local [spmem:s15], $0x2700  }
0x59: {  	s26 =	sadd.s32 $0x1, s26;
	_ =	swait.ge [sflag:s13], $0x2700  }
0x5a: {  	p1 =	sne.s32 s26, s11;
	[sflag:s13] =	ssyncset.done $0x0  }
.Ltmp1:
0x5b: {  	s28 =	simm.s32 @!p0 $0x5;
	[sflag:s13] =	ssyncadd.s32 $0xFFFFD900;
	(pc) =	sbr.rel @p1 .LBB2_1-.Ltmp1, $4  }
0x5c: {  	[hbm:s10], [sflag:s14] =	dma.local @!p0 [spmem:s16], $0x100  }
0x5d: {  	_ =	swait.ge @!p0 [sflag:s28], $0x100  }
0x5e: {  	[sflag:s28] =	ssyncset.done @!p0 $0x0  }
0x5f: {  	[sflag:s28] =	ssyncadd.s32 @!p0 $0xFFFFFF00  }
0x60: {  	_ =	sfence.sel $0x180000  }
0x61: {  	[bflag:$0x0] =	sbarrier.arrive $0xFFFF  }
0x62: {  	p0 =	sne.s32 s1, $0x0;
	_ =	strace $0x9000004D  }
0x63: {  	s0 =	sadd.s32 @!p0 $0x100000, s0;
	[bflag:$0x2] =	sbarrier.arrive $0xFFFF  }
0x64: {  	[sflag:s0] =	ssyncadd.tile.s32 @!p0 $0x1;
	_ =	shalt  }
.Lfunc_end2:
_tile_overlayer_lowered:
.L_overlay_start_2:
0x65: {  	(tag) =	ssettag $0x2  }
0x66: {  	s0 =	rddreg [dreg:$0x0];
	s2 =	stileid.u32  }
0x67: {  	s1 =	rddreg [dreg:$0x1];
	p0 =	sne.s32 s2, $0x0  }
0x68: {  	s3 =	rddreg [dreg:$0x2];
	[bflag:$0x3] =	sbarrier.arrive $0xFFFF;
	s2 =	simm.s32 @!p0 $0x1C05  }
0x69: {  	[timem:s3], [sflag:s2] =	dma.local @!p0 [hbm:s0], s1  }
0x6a: {  	s0 =	simm.s32 @!p0 $0x5  }
0x6b: {  	_ =	swait.ge @!p0 [sflag:s0], s1  }
0x6c: {  	s1 =	ssub.s32 @!p0 $0x0, s1;
	[sflag:s0] =	ssyncset.done @!p0 $0x0  }
0x6d: {  	[sflag:s0] =	ssyncadd.s32 @!p0 s1  }
0x6e: {  	[bflag:$0x3] =	sbarrier.arrive $0xFFFF  }
0x6f: {  	_ =	shalt  }

// kernel: kernel.14.cloned.1.call-start
scs
__scs_entry_jumppad:
0x0: {  	(pc) =	sbr.rel $0x88, $3  }
0x1: {  	(tag) =	ssettag $0x0;
	lr =	simm.s32 $0x1  }
0x2: {  	[smem:$0x3F92] =	sst lr;
	_ =	strace $0xD0000000  }
0x3: {  	_ = 	snop  }
0x4: {  	_ = 	snop  }
0x5: {  	_ = 	snop  }
0x6: {  	_ = 	snop  }
0x7: {  	_ = 	snop  }
__scs_overlays_trampoline_lowered:
0x8: {  	[smem:$0x3FA1] =	sst s0  }
0x9: {  	[smem:$0x3FA2] =	sst s1  }
0xa: {  	[smem:$0x3FA3] =	sst s2  }
0xb: {  	[smem:$0x3FA4] =	sst s3  }
0xc: {  	[smem:$0x3FA5] =	sst s4  }
0xd: {  	[smem:$0x3FA6] =	sst s5  }
0xe: {  	[smem:$0x3FA7] =	sst s6  }
0xf: {  	[smem:$0x3FA8] =	sst s7  }
0x10: {  	[smem:$0x3FA9] =	sst s8  }
0x11: {  	[smem:$0x3FAA] =	sst s9;
	s0 =	simm.s32 @!p0 $0x0  }
0x12: {  	s1 =	sld [smem:$0x3F90];
	s0 =	simm.s32 @p0 $0x1  }
0x13: {  	[smem:$0x3FAB] =	sst s0;
	s0 =	simm.s32 @!p1 $0x0  }
0x14: {  	s2 =	sld [smem:$0x3F8F];
	s0 =	simm.s32 @p1 $0x1  }
0x15: {  	[smem:$0x3FAC] =	sst s0;
	s0 =	simm.s32 @!p2 $0x0  }
0x16: {  	s3 =	sld [smem:$0x3FDB];
	s0 =	simm.s32 @p2 $0x1  }
0x17: {  	s4 =	simm.s32 $0x1BF5;
	[smem:$0x3FAE] =	sst s0  }
0x18: {  	s0 =	sld [smem:$0x3F91];
	_ =	swait.ge [sflag:s4], $0x0  }
0x19: {  	s7 =	sld [smem:$0x3F92]  }
0x1a: {  	s8 =	sadd.s32 $0xFFFFE003, lr  }
0x1b: {  	s9 =	sadd.s32 $0xFFFFFEF7, lr;
	s5 =	simm.s32 $0xFFFFFFFF;
	p2 =	slt.u32 s8, $0xFFFFF086  }
0x1c: {  	p1 =	slt.u32 s9, $0xF7A;
	s5 =	simm.s32 @!p2 $0x0  }
0x1d: {  	s5 =	simm.s32 @p1 $0x1;
	p0 =	seq.s32 s7, s2  }
0x1e: {  	s7 =	smul.u32 @!p0 $0xF7A, s2;
	p2 =	seq.s32 @!p0 s5, $0x0  }
0x1f: {  	s9 =	smul.u32 $0xF7A, s1;
	s8 =	simm.s32 @!p0 $0x1BF5;
	p2 =	por !p2, p0  }
0x20: {  	[sflag:s8] =	ssyncset.s32 @!p0 $0xFFFFF086;
	s6 =	sadd.s32 @!p0 s3, s7;
	s7 =	simm.s32 @!p0 $0x108  }
0x21: {  	s3 =	sadd.s32 s3, s9;
	s6 =	sadd.s32 @!p0 $0x88, s6;
	s7 =	simm.s32 @p2 $0x1082  }
0x22: {  	[simem:s7], [sflag:s8] =	dma.local @!p0 [hbm:s6], $0xF7A  }
0x23: {  	s9 =	sor.u32 $0xD0000000, s2;
	s6 =	simm.s32 $0x108;
	_ =	swait.ge @!p0 [sflag:s8], $0x0  }
0x24: {  	s3 =	sadd.s32 $0x88, s3;
	s6 =	simm.s32 @!p1 $0x1082;
	[sflag:s4] =	ssyncset.s32 $0xFFFFF086  }
0x25: {  	[simem:s6], [sflag:s4] =	dma.local [hbm:s3], $0xF7A  }
0x26: {  	[smem:$0x3F92] =	sst s1;
	(tag) =	ssettag s2;
	_ =	strace s9  }
0x27: {  	s1 =	sld [smem:$0x3FA2]  }
0x28: {  	s2 =	sld [smem:$0x3FA3]  }
0x29: {  	s4 =	sld [smem:$0x3FA5]  }
0x2a: {  	p0 =	seq.s32 s5, $0x0;
	s5 =	sld [smem:$0x3FA6]  }
0x2b: {  	s6 =	sld [smem:$0x3FA7]  }
0x2c: {  	s7 =	sld [smem:$0x3FA8]  }
0x2d: {  	s3 =	simm.s32 $0x108;
	s8 =	sld [smem:$0x3FA9]  }
0x2e: {  	s3 =	simm.s32 @!p0 $0x1082;
	s9 =	sld [smem:$0x3FAA]  }
0x2f: {  	lr =	sadd.s32 s0, s3;
	s0 =	sld [smem:$0x3FA1]  }
0x30: {  	s3 =	sld [smem:$0x3FA4]  }
0x31: {  	[smem:$0x3FAD] =	sst s10  }
0x32: {  	s10 =	sld [smem:$0x3FAB];
	_ =	sdelay $0x3  }
0x33: {  	p0 =	seq.s32 s10, $0x1;
	s10 =	sld [smem:$0x3FAD];
	_ =	sdelay $0x3  }
0x34: {  	[smem:$0x3FAD] =	sst s10  }
0x35: {  	s10 =	sld [smem:$0x3FAC];
	_ =	sdelay $0x3  }
0x36: {  	p1 =	seq.s32 s10, $0x1;
	s10 =	sld [smem:$0x3FAD];
	_ =	sdelay $0x3  }
0x37: {  	[smem:$0x3FAD] =	sst s10  }
0x38: {  	s10 =	sld [smem:$0x3FAE]  }
0x39: {  	_ = 	snop;
	(pc) =	sbr.ind lr, $3  }
0x3a: {  	_ = 	snop  }
0x3b: {  	_ = 	snop  }
0x3c: {  	p2 =	seq.s32 s10, $0x1;
	s10 =	sld [smem:$0x3FAD]  }
0x3d: {  	_ =	shalt  }
0x3e: {  	_ =	shalt  }
0x3f: {  	_ =	shalt  }
0x40: {  	_ =	shalt  }
0x41: {  	_ =	shalt  }
0x42: {  	_ =	shalt  }
0x43: {  	_ =	shalt  }
0x44: {  	_ =	shalt  }
0x45: {  	_ =	shalt  }
0x46: {  	_ =	shalt  }
0x47: {  	_ =	shalt  }
0x48: {  	_ =	shalt  }
0x49: {  	_ =	shalt  }
0x4a: {  	_ =	shalt  }
0x4b: {  	_ =	shalt  }
0x4c: {  	_ =	shalt  }
0x4d: {  	_ =	shalt  }
0x4e: {  	_ =	shalt  }
0x4f: {  	_ =	shalt  }
0x50: {  	_ =	shalt  }
0x51: {  	_ =	shalt  }
0x52: {  	_ =	shalt  }
0x53: {  	_ =	shalt  }
0x54: {  	_ =	shalt  }
0x55: {  	_ =	shalt  }
0x56: {  	_ =	shalt  }
0x57: {  	_ =	shalt  }
0x58: {  	_ =	shalt  }
0x59: {  	_ =	shalt  }
0x5a: {  	_ =	shalt  }
0x5b: {  	_ =	shalt  }
0x5c: {  	_ =	shalt  }
0x5d: {  	_ =	shalt  }
0x5e: {  	_ =	shalt  }
0x5f: {  	_ =	shalt  }
0x60: {  	_ =	shalt  }
0x61: {  	_ =	shalt  }
0x62: {  	_ =	shalt  }
0x63: {  	_ =	shalt  }
0x64: {  	_ =	shalt  }
0x65: {  	_ =	shalt  }
0x66: {  	_ =	shalt  }
0x67: {  	_ =	shalt  }
0x68: {  	_ =	shalt  }
0x69: {  	_ =	shalt  }
0x6a: {  	_ =	shalt  }
0x6b: {  	_ =	shalt  }
0x6c: {  	_ =	shalt  }
0x6d: {  	_ =	shalt  }
0x6e: {  	_ =	shalt  }
0x6f: {  	_ =	shalt  }
0x70: {  	_ =	shalt  }
0x71: {  	_ =	shalt  }
0x72: {  	_ =	shalt  }
0x73: {  	_ =	shalt  }
0x74: {  	_ =	shalt  }
0x75: {  	_ =	shalt  }
0x76: {  	_ =	shalt  }
0x77: {  	_ =	shalt  }
0x78: {  	_ =	shalt  }
0x79: {  	_ =	shalt  }
0x7a: {  	_ =	shalt  }
0x7b: {  	_ =	shalt  }
0x7c: {  	_ =	shalt  }
0x7d: {  	_ =	shalt  }
0x7e: {  	_ =	shalt  }
0x7f: {  	_ =	shalt  }
0x80: {  	_ =	shalt  }
0x81: {  	_ =	shalt  }
0x82: {  	_ =	shalt  }
0x83: {  	_ =	shalt  }
0x84: {  	_ =	shalt  }
0x85: {  	_ =	shalt  }
0x86: {  	_ =	shalt  }
0x87: {  	_ =	shalt  }
.Lfunc_end0:
.L_simem_size_0:
called_computation.2_lowered:
.L_overlay_start_0:
0x88: {  	s2 =	sld [smem:$0x3FD9]  }
0x89: {  	s3 =	sld [smem:$0x3FFE];
	_ =	sdelay $0x1  }
0x8a: {  	s1 =	srdreg.scid  }
0x8b: {  	s0 =	sand.u32 $0x1, s1  }
0x8c: {  	s14 =	sshll.u32 s0, $0xA;
	s2 =	sadd.s32 s3, s2  }
0x8d: {  	s2 =	sadd.s32 s2, s14  }
0x8e: {  	[smem:$0x3FB9] =	sst s2  }
0x8f: {  	_ = 	snop  }
0x90: {  	s2 =	sld [smem:$0x3FD0];
	_ =	sdelay $0x2  }
0x91: {  	s15 =	simm.s32 $0xB;
	s4 =	simm.s32 $0x10  }
0x92: {  	[smem:s4], [sflag:s15] =	dma.local [hbm:s2], $0x1  }
0x93: {  	_ =	swait.eq [sflag:s15], $0x1  }
0x94: {  	[sflag:s15] =	ssyncset.done $0x0  }
0x95: {  	[sflag:s15] =	ssyncadd.s32 $0xFFFFFFFF  }
0x96: {  	s16 =	sld [smem:$0x12];
	(tm) =	ssettm $0x1  }
0x97: {  	s17 =	sld [smem:$0x3FFB];
	_ =	sdelay $0x3  }
0x98: {  	_ =	strace s17  }
0x99: {  	s3 =	sld [smem:$0x3FFC];
	_ =	sdelay $0x3  }
0x9a: {  	_ =	strace s3  }
0x9b: {  	s3 =	sld [smem:$0x3FFD];
	_ =	sdelay $0x3  }
0x9c: {  	_ =	strace s3  }
0x9d: {  	_ =	strace $0x8FFFFFFF  }
0x9e: {  	s18 =	sld [smem:$0x3FDB];
	_ =	sdelay $0x1  }
0x9f: {  	s19 =	simm.s32 $_scs_section_size  }
0xa0: {  	s5 =	simm.s32 $_size__tile_overlayer_lowered;
	s6 =	simm.s32 $_tile_overlayer_lowered  }
0xa1: {  	s22 =	simm.s32 $0x1BFF;
	s21 =	sshll.u32 s6, $0x1;
	s3 =	sadd.s32 s19, s18  }
0xa2: {  	s7 =	simm.s32 $0x0;
	s20 =	sshll.u32 s5, $0x1;
	s5 =	sadd.s32 s21, s3  }
0xa3: {  	[timem:s7], [sflag:s22] =	dma.local [hbm:s5], s20  }
0xa4: {  	_ =	swait.ge [sflag:s22], s20  }
0xa5: {  	s4 =	ssub.s32 $0x0, s20;
	[sflag:s22] =	ssyncset.done $0x0  }
0xa6: {  	[sflag:s22] =	ssyncadd.s32 s4;
	_ =	sdelay $0x1  }
0xa7: {  	s23 =	simm.s32 $0x1B8B  }
0xa8: {  	_ =	swait.ge [sflag:s23], $0x1  }
0xa9: {  	[sflag:s23] =	ssyncset.done $0x0  }
0xaa: {  	s25 =	simm.s32 $0x1B8E;
	s24 =	sld [smem:$0x3FFE];
	[sflag:s23] =	ssyncadd.s32 $0xFFFFFFFF  }
0xab: {  	s26 =	simm.s32 $execute0_lowered;
	[smem:$0x3FD2] =	sst s25  }
0xac: {  	s5 =	sshll.u32 s26, $0x1;
	_ =	strace $0x80000049;
	[dreg:$0x1] =	wrdreg $0xFFFFFFFF  }
0xad: {  	s28 =	simm.s32 $_size_execute0_lowered;
	s3 =	sadd.s32 s3, s5;
	[dreg:$0x0] =	wrdreg $0x0  }
0xae: {  	s5 =	sshll.u32 s28, $0x1;
	[dreg:$0x2] =	wrdreg s3  }
0xaf: {  	[dreg:$0x3] =	wrdreg s5  }
0xb0: {  	[dreg:$0x4] =	wrdreg $0xC0  }
0xb1: {  	_ =	task [dreg:s7], $0x5FFFF  }
0xb2: {  	[dreg:$0x1] =	wrdreg $0xFFFFFFFF  }
0xb3: {  	[dreg:$0x0] =	wrdreg $0x60  }
0xb4: {  	[dreg:$0x2] =	wrdreg s24  }
0xb5: {  	[dreg:$0x3] =	wrdreg s16  }
0xb6: {  	[dreg:$0x4] =	wrdreg $0x2C100  }
0xb7: {  	[dreg:$0x5] =	wrdreg $0xA  }
0xb8: {  	_ =	task.clear_ibuf [dreg:s7], $0x6FFFF;
	_ =	strace $0x90000049  }
0xb9: {  	s29 =	simm.s32 $0xA;
	_ =	strace $0x8000004B  }
0xba: {  	_ =	swait.ge [sflag:s29], $0x1  }
0xbb: {  	[sflag:s29] =	ssyncadd.s32 $0xFFFFFFFF  }
0xbc: {  	_ =	strace $0x9000004B  }
0xbd: {  	_ =	sfence  }
0xbe: {  	s30 =	sld [smem:$0x0];
	_ =	sdelay $0x2  }
0xbf: {  	s31 =	sshll.u32 s1, $0xD;
	s1 =	sshrl.u32 s1, $0x2  }
0xc0: {  	s3 =	sand.u32 $0x4000, s31;
	s1 =	sadd.s32 s1, s30  }
0xc1: {  	s0 =	sor.u32 s3, s0;
	s1 =	sshll.u32 s1, $0x11  }
0xc2: {  	s0 =	sor.u32 s1, s0  }
0xc3: {  	s0 =	sadd.s32 $0x8F2B, s0  }
0xc4: {  	[sflag:s0] =	ssyncadd.remote.s32 $0x1  }
0xc5: {  	_ =	sfence.sel $0xFFFF  }
0xc6: {  	[dreg:$0x0] =	wrdreg $0xFFFFFFFF;
	(pc) =	sbr.abs _section_cstart, $3  }
0xc7: {  	[dreg:$0x1] =	wrdreg $0xFFFFFFFF  }
0xc8: {  	_ =	task.clear_ibuf [dreg:s7], $0x2FFFF;
	_ =	strace $0x9FFFFFFF  }
0xc9: {  	(tm) =	ssettm $0x7FFFFFFF  }
tec
execute0_lowered:
.L_overlay_start_1:
0x0: {  	(tag) =	ssettag $0x1  }
0x1: {  	s6 =	rddreg [dreg:$0x0]  }
0x2: {  	s1 =	srdreg.scid;
	s12 =	rddreg [dreg:$0x1]  }
0x3: {  	s0 =	stileid.u32;
	s2 =	rddreg [dreg:$0x2];
	s3 =	simm.s32 $0x0  }
0x4: {  	s19 =	simm.s32 $0x2990;
	s20 =	simm.s32 $0x1;
	s21 =	simm.s32 $0x28  }
0x5: {  	s28 =	simm.s32 $0x0;
	s7 =	sand.u32 $0x1, s1;
	s22 =	sshll.u32 s0, $0x1  }
0x6: {  	s9 =	smul.u32 $0x2700, s0;
	[smem:$0x7FF] =	sst s3;
	s11 =	sadd.s32 $0x18E00, s6  }
0x7: {  	s17 =	sadd.s32 $0x27000, s2;
	s25 =	smul.u32 $0x4E20, s0;
	s31 =	sshll.u32 s0, $0x6  }
0x8: {  	p0 =	sne.s32 s0, $0xF;
	s5 =	sor.u32 s7, s22;
	s15 =	smul.u32 $0x27100, s7  }
0x9: {  	_ =	strace $0x8000004A;
	s10 =	ssub.s32 $0x2, s7;
	s18 =	smul.u32 $0x2710, s7  }
0xa: {  	s17 =	sshrl.u32 @!p0 s17, $0x3;
	s22 =	simm.s32 $0x2;
	s4 =	smul.u32 $0x2710, s5  }
0xb: {  	s8 =	sshrl.u32 s9, $0x3;
	s13 =	sshrl.u32 s10, $0x1;
	s14 =	smul.u32 $0x4E20, s5  }
0xc: {  	s23 =	smul.u32 $0x27100, s5;
	s16 =	sadd.s32 s9, s2;
	s8 =	sadd.s32 s8, s6  }
0xd: {  	s13 =	ssub.s32 s10, s13;
	s9 =	sadd.s32 s9, s15;
	s26 =	sshrl.u32 s15, $0x3  }
0xe: {  	s10 =	sadd.s32 s18, s25;
	s15 =	sor.u32 $0x1C05, s31;
	s16 =	sshrl.u32 s16, $0x3  }
0xf: {  	s18 =	simm.s32 $0x2710;
	s25 =	simm.s32 $0x26C0;
	s4 =	sshrl.u32 s4, $0x3  }
0x10: {  	s5 =	sadd.s32 $0x5200, s8;
	s24 =	sshrl.u32 s23, $0x3;
	s7 =	sadd.s32 s12, s14  }
0x11: {  	s9 =	sshrl.u32 s9, $0x3;
	s29 =	sshll.u32 s10, $0x1;
	s14 =	simm.s32 $0x5  }
0x12: {  	s23 =	simm.s32 $0x3;
	s4 =	sadd.s32 s4, s6;
	s6 =	sadd.s32 $0xA000, s6  }
0x13: {  	s8 =	sadd.s32 s12, s24;
	s9 =	sadd.s32 s11, s9;
	s11 =	sadd.s32 s11, s26  }
0x14: {  	s30 =	sadd.s32 s12, s29;
	s24 =	simm.s32 $0x4;
	s26 =	simm.s32 $0x26E8  }
0x15: {  	s4 =	sadd.s32 $0xF000, s4;
	s8 =	sadd.s32 $0x50, s8;
	s10 =	sadd.s32 $0x4E00, s11  }
0x16: {  	s11 =	smax.u32 s13, $0x1;
	s12 =	sadd.s32 $0xF0, s30;
	s13 =	sadd.s32 $0xA0, s30  }
.LBB2_1:
0x17: {  	[tilespmem:s3], [sflag:$0x5] =	stream.linear.gather [hbm4b:s4+s3], $0x2710, $0x38;
	[tilespmem:$0x5320] =	vst v63  }
0x18: {  	_ =	swait.ge [sflag:s14], $0x2710  }
0x19: {  	[sflag:s14] =	ssyncset.done $0x0  }
0x1a: {  	[sflag:s14] =	ssyncadd.s32 $0xFFFFD8F0  }
0x1b: {  	[spmem:s16], [sflag:s15] =	dma.local [hbm:s5], $0x4E0  }
0x1c: {  	_ =	swait.ge [sflag:s14], $0x4E0  }
0x1d: {  	[sflag:s14] =	ssyncset.done $0x0  }
0x1e: {  	s29 =	simm.s32 @!p0 $0x5;
	[sflag:s14] =	ssyncadd.s32 $0xFFFFFB20  }
0x1f: {  	[spmem:s17], [sflag:s15] =	dma.local @!p0 [hbm:s6], $0x20  }
0x20: {  	_ =	swait.ge @!p0 [sflag:s29], $0x20  }
0x21: {  	[sflag:s29] =	ssyncset.done @!p0 $0x0  }
0x22: {  	[sflag:s29] =	ssyncadd.s32 @!p0 $0xFFFFFFE0  }
0x23: {  	[bflag:$0x0] =	sbarrier.arrive $0xFFFF  }
0x24: {  	[tilespmem:s18], [sflag:$0x1] =	stream.linear.gather [hbm4b:s7+s3], $0x280, $0x38;
	[tilespmem:$0x5320] =	vst v63  }
0x25: {  	_ = 	snop  }
0x26: {  	[tilespmem:s19], [sflag:$0x2] =	stream.linear.gather [hbm4b:s8+s3], $0x280, $0x38;
	[tilespmem:$0x5320] =	vst v63  }
0x27: {  	_ =	swait.ge [sflag:s20], $0x280  }
0x28: {  	[sflag:s20] =	ssyncset.done $0x0  }
0x29: {  	s29 =	simm.s32 $0x0;
	[sflag:s20] =	ssyncadd.s32 $0xFFFFFD80  }
0x2a: {  	[spmem:s2] =	stream.indirect.scatter.add.f32 [tilespmem:s18], [sflag:$0x3], $0x10, s29, s21, $0xb8;
	[tilespmem:$0x5320] =	vst v63  }
0x2b: {  	_ =	swait.ge [sflag:s22], $0x280  }
0x2c: {  	[sflag:s22] =	ssyncset.done $0x0  }
0x2d: {  	[sflag:s22] =	ssyncadd.s32 $0xFFFFFD80  }
0x2e: {  	[spmem:s2] =	stream.indirect.scatter.add.f32 [tilespmem:s19], [sflag:$0x4], $0x10, s21, s21, $0xb8;
	[tilespmem:$0x5320] =	vst v63  }
0x2f: {  	_ =	swait.ge [sflag:s23], $0x280  }
0x30: {  	[sflag:s23] =	ssyncset.done $0x0  }
0x31: {  	s29 =	sadd.s32 $0x0, s13;
	[sflag:s23] =	ssyncadd.s32 $0xFFFFFD80  }
0x32: {  	[tilespmem:s18], [sflag:$0x1] =	stream.linear.gather [hbm4b:s29+s3], $0x280, $0x38;
	[tilespmem:$0x5320] =	vst v63  }
0x33: {  	_ =	swait.ge [sflag:s24], $0x280  }
0x34: {  	s31 =	sadd.s32 $0x0, s12;
	[sflag:s24] =	ssyncset.done $0x0  }
0x35: {  	s30 =	simm.s32 $0x78;
	s29 =	simm.s32 $0xA0;
	[sflag:s24] =	ssyncadd.s32 $0xFFFFFD80  }
.LBB2_2:
0x36: {  	[tilespmem:s19], [sflag:$0x2] =	stream.linear.gather [hbm4b:s31+s3], $0x280, $0x38;
	[tilespmem:$0x5320] =	vst v63  }
0x37: {  	s31 =	smov.u32 s29  }
0x38: {  	p1 =	sne.s32 s29, $0x4CE0;
	s29 =	sadd.s32 $0xA0, s29;
	_ =	swait.ge [sflag:s20], $0x280  }
0x39: {  	[sflag:s20] =	ssyncset.done $0x0  }
0x3a: {  	s1 =	sadd.s32 $0xFFFFFFD8, s30;
	[sflag:s20] =	ssyncadd.s32 $0xFFFFFD80  }
0x3b: {  	[spmem:s2] =	stream.indirect.scatter.add.f32 [tilespmem:s18], [sflag:$0x3], $0x10, s1, s21, $0xb8;
	[tilespmem:$0x5320] =	vst v63  }
0x3c: {  	_ =	swait.ge [sflag:s22], $0x280  }
0x3d: {  	[sflag:s22] =	ssyncset.done $0x0  }
0x3e: {  	[sflag:s22] =	ssyncadd.s32 $0xFFFFFD80  }
0x3f: {  	[spmem:s2] =	stream.indirect.scatter.add.f32 [tilespmem:s19], [sflag:$0x4], $0x10, s30, s21, $0xb8;
	[tilespmem:$0x5320] =	vst v63  }
0x40: {  	_ =	swait.ge [sflag:s23], $0x280  }
0x41: {  	[sflag:s23] =	ssyncset.done $0x0  }
.Ltmp0:
0x42: {  	s1 =	sadd.s32 s31, s13;
	[sflag:s23] =	ssyncadd.s32 $0xFFFFFD80;
	(pc) =	sbr.rel @p1 .LBB2_2-.Ltmp0, $4  }
0x43: {  	[tilespmem:s18], [sflag:$0x1] =	stream.linear.gather [hbm4b:s1+s3], $0x280, $0x38;
	[tilespmem:$0x5320] =	vst v63  }
0x44: {  	_ =	swait.ge [sflag:s24], $0x280  }
0x45: {  	[sflag:s24] =	ssyncset.done $0x0  }
0x46: {  	s31 =	sadd.s32 s31, s12;
	s30 =	sadd.s32 $0x50, s30;
	[sflag:s24] =	ssyncadd.s32 $0xFFFFFD80  }
0x47: {  	[tilespmem:s19], [sflag:$0x2] =	stream.linear.gather [hbm4b:s31+s3], $0x280, $0x38;
	[tilespmem:$0x5320] =	vst v63  }
0x48: {  	_ =	swait.ge [sflag:s20], $0x280  }
0x49: {  	[sflag:s20] =	ssyncset.done $0x0  }
0x4a: {  	[sflag:s20] =	ssyncadd.s32 $0xFFFFFD80  }
0x4b: {  	[spmem:s2] =	stream.indirect.scatter.add.f32 [tilespmem:s18], [sflag:$0x3], $0x10, s25, s21, $0xb8;
	[tilespmem:$0x5320] =	vst v63  }
0x4c: {  	_ =	swait.ge [sflag:s22], $0x280  }
0x4d: {  	[sflag:s22] =	ssyncset.done $0x0  }
0x4e: {  	[sflag:s22] =	ssyncadd.s32 $0xFFFFFD80  }
0x4f: {  	[spmem:s2] =	stream.indirect.scatter.add.f32 [tilespmem:s19], [sflag:$0x4], $0x10, s26, s21, $0xb8;
	[tilespmem:$0x5320] =	vst v63  }
0x50: {  	_ =	swait.ge [sflag:s23], $0x280  }
0x51: {  	[sflag:s23] =	ssyncset.done $0x0  }
0x52: {  	[sflag:s23] =	ssyncadd.s32 $0xFFFFFD80  }
0x53: {  	_ =	swait.ge [sflag:s24], $0x280  }
0x54: {  	[sflag:s24] =	ssyncset.done $0x0  }
0x55: {  	[sflag:s24] =	ssyncadd.s32 $0xFFFFFD80  }
0x56: {  	[bflag:$0x0] =	sbarrier.arrive $0xFFFF  }
0x57: {  	[hbm:s9], [sflag:s15] =	dma.local [spmem:s16], $0x4E0  }
0x58: {  	s28 =	sadd.s32 $0x1, s28;
	_ =	swait.ge [sflag:s14], $0x4E0  }
0x59: {  	p1 =	sne.s32 s28, s11;
	[sflag:s14] =	ssyncset.done $0x0  }
.Ltmp1:
0x5a: {  	s1 =	simm.s32 @!p0 $0x5;
	[sflag:s14] =	ssyncadd.s32 $0xFFFFFB20;
	(pc) =	sbr.rel @p1 .LBB2_1-.Ltmp1, $4  }
0x5b: {  	[hbm:s10], [sflag:s15] =	dma.local @!p0 [spmem:s17], $0x20  }
0x5c: {  	_ =	swait.ge @!p0 [sflag:s1], $0x20  }
0x5d: {  	[sflag:s1] =	ssyncset.done @!p0 $0x0  }
0x5e: {  	[sflag:s1] =	ssyncadd.s32 @!p0 $0xFFFFFFE0  }
0x5f: {  	_ =	sfence.sel $0x180000  }
0x60: {  	[bflag:$0x0] =	sbarrier.arrive $0xFFFF  }
0x61: {  	_ =	strace $0x9000004A  }
0x62: {  	[bflag:$0x2] =	sbarrier.arrive $0xFFFF  }
0x63: {  	p0 =	sne.s32 s0, $0x0;
	s0 =	rddreg [dreg:$0x3]  }
0x64: {  	s0 =	sadd.s32 @!p0 $0x100000, s0  }
0x65: {  	[sflag:s0] =	ssyncadd.tile.s32 @!p0 $0x1;
	_ =	shalt  }
.Lfunc_end2:
_tile_overlayer_lowered:
.L_overlay_start_2:
0x66: {  	(tag) =	ssettag $0x2  }
0x67: {  	s0 =	rddreg [dreg:$0x0];
	s2 =	stileid.u32  }
0x68: {  	s1 =	rddreg [dreg:$0x1];
	p0 =	sne.s32 s2, $0x0  }
0x69: {  	s3 =	rddreg [dreg:$0x2];
	[bflag:$0x3] =	sbarrier.arrive $0xFFFF;
	s2 =	simm.s32 @!p0 $0x1C05  }
0x6a: {  	[timem:s3], [sflag:s2] =	dma.local @!p0 [hbm:s0], s1  }
0x6b: {  	s0 =	simm.s32 @!p0 $0x5  }
0x6c: {  	_ =	swait.ge @!p0 [sflag:s0], s1  }
0x6d: {  	s1 =	ssub.s32 @!p0 $0x0, s1;
	[sflag:s0] =	ssyncset.done @!p0 $0x0  }
0x6e: {  	[sflag:s0] =	ssyncadd.s32 @!p0 s1  }
0x6f: {  	[bflag:$0x3] =	sbarrier.arrive $0xFFFF  }
0x70: {  	_ =	shalt  }

// kernel: kernel.8.cloned.1.call-start
scs
__scs_entry_jumppad:
0x0: {  	(pc) =	sbr.rel $0x88, $3  }
0x1: {  	(tag) =	ssettag $0x0;
	lr =	simm.s32 $0x1  }
0x2: {  	[smem:$0x3F92] =	sst lr;
	_ =	strace $0xD0000000  }
0x3: {  	_ = 	snop  }
0x4: {  	_ = 	snop  }
0x5: {  	_ = 	snop  }
0x6: {  	_ = 	snop  }
0x7: {  	_ = 	snop  }
__scs_overlays_trampoline_lowered:
0x8: {  	[smem:$0x3FA1] =	sst s0  }
0x9: {  	[smem:$0x3FA2] =	sst s1  }
0xa: {  	[smem:$0x3FA3] =	sst s2  }
0xb: {  	[smem:$0x3FA4] =	sst s3  }
0xc: {  	[smem:$0x3FA5] =	sst s4  }
0xd: {  	[smem:$0x3FA6] =	sst s5  }
0xe: {  	[smem:$0x3FA7] =	sst s6  }
0xf: {  	[smem:$0x3FA8] =	sst s7  }
0x10: {  	[smem:$0x3FA9] =	sst s8  }
0x11: {  	[smem:$0x3FAA] =	sst s9;
	s0 =	simm.s32 @!p0 $0x0  }
0x12: {  	s1 =	sld [smem:$0x3F90];
	s0 =	simm.s32 @p0 $0x1  }
0x13: {  	[smem:$0x3FAB] =	sst s0;
	s0 =	simm.s32 @!p1 $0x0  }
0x14: {  	s2 =	sld [smem:$0x3F8F];
	s0 =	simm.s32 @p1 $0x1  }
0x15: {  	[smem:$0x3FAC] =	sst s0;
	s0 =	simm.s32 @!p2 $0x0  }
0x16: {  	s3 =	sld [smem:$0x3FDB];
	s0 =	simm.s32 @p2 $0x1  }
0x17: {  	s4 =	simm.s32 $0x1BF5;
	[smem:$0x3FAE] =	sst s0  }
0x18: {  	s0 =	sld [smem:$0x3F91];
	_ =	swait.ge [sflag:s4], $0x0  }
0x19: {  	s7 =	sld [smem:$0x3F92]  }
0x1a: {  	s8 =	sadd.s32 $0xFFFFE003, lr  }
0x1b: {  	s9 =	sadd.s32 $0xFFFFFEF7, lr;
	s5 =	simm.s32 $0xFFFFFFFF;
	p2 =	slt.u32 s8, $0xFFFFF086  }
0x1c: {  	p1 =	slt.u32 s9, $0xF7A;
	s5 =	simm.s32 @!p2 $0x0  }
0x1d: {  	s5 =	simm.s32 @p1 $0x1;
	p0 =	seq.s32 s7, s2  }
0x1e: {  	s7 =	smul.u32 @!p0 $0xF7A, s2;
	p2 =	seq.s32 @!p0 s5, $0x0  }
0x1f: {  	s9 =	smul.u32 $0xF7A, s1;
	s8 =	simm.s32 @!p0 $0x1BF5;
	p2 =	por !p2, p0  }
0x20: {  	[sflag:s8] =	ssyncset.s32 @!p0 $0xFFFFF086;
	s6 =	sadd.s32 @!p0 s3, s7;
	s7 =	simm.s32 @!p0 $0x108  }
0x21: {  	s3 =	sadd.s32 s3, s9;
	s6 =	sadd.s32 @!p0 $0x88, s6;
	s7 =	simm.s32 @p2 $0x1082  }
0x22: {  	[simem:s7], [sflag:s8] =	dma.local @!p0 [hbm:s6], $0xF7A  }
0x23: {  	s9 =	sor.u32 $0xD0000000, s2;
	s6 =	simm.s32 $0x108;
	_ =	swait.ge @!p0 [sflag:s8], $0x0  }
0x24: {  	s3 =	sadd.s32 $0x88, s3;
	s6 =	simm.s32 @!p1 $0x1082;
	[sflag:s4] =	ssyncset.s32 $0xFFFFF086  }
0x25: {  	[simem:s6], [sflag:s4] =	dma.local [hbm:s3], $0xF7A  }
0x26: {  	[smem:$0x3F92] =	sst s1;
	(tag) =	ssettag s2;
	_ =	strace s9  }
0x27: {  	s1 =	sld [smem:$0x3FA2]  }
0x28: {  	s2 =	sld [smem:$0x3FA3]  }
0x29: {  	s4 =	sld [smem:$0x3FA5]  }
0x2a: {  	p0 =	seq.s32 s5, $0x0;
	s5 =	sld [smem:$0x3FA6]  }
0x2b: {  	s6 =	sld [smem:$0x3FA7]  }
0x2c: {  	s7 =	sld [smem:$0x3FA8]  }
0x2d: {  	s3 =	simm.s32 $0x108;
	s8 =	sld [smem:$0x3FA9]  }
0x2e: {  	s3 =	simm.s32 @!p0 $0x1082;
	s9 =	sld [smem:$0x3FAA]  }
0x2f: {  	lr =	sadd.s32 s0, s3;
	s0 =	sld [smem:$0x3FA1]  }
0x30: {  	s3 =	sld [smem:$0x3FA4]  }
0x31: {  	[smem:$0x3FAD] =	sst s10  }
0x32: {  	s10 =	sld [smem:$0x3FAB];
	_ =	sdelay $0x3  }
0x33: {  	p0 =	seq.s32 s10, $0x1;
	s10 =	sld [smem:$0x3FAD];
	_ =	sdelay $0x3  }
0x34: {  	[smem:$0x3FAD] =	sst s10  }
0x35: {  	s10 =	sld [smem:$0x3FAC];
	_ =	sdelay $0x3  }
0x36: {  	p1 =	seq.s32 s10, $0x1;
	s10 =	sld [smem:$0x3FAD];
	_ =	sdelay $0x3  }
0x37: {  	[smem:$0x3FAD] =	sst s10  }
0x38: {  	s10 =	sld [smem:$0x3FAE]  }
0x39: {  	_ = 	snop;
	(pc) =	sbr.ind lr, $3  }
0x3a: {  	_ = 	snop  }
0x3b: {  	_ = 	snop  }
0x3c: {  	p2 =	seq.s32 s10, $0x1;
	s10 =	sld [smem:$0x3FAD]  }
0x3d: {  	_ =	shalt  }
0x3e: {  	_ =	shalt  }
0x3f: {  	_ =	shalt  }
0x40: {  	_ =	shalt  }
0x41: {  	_ =	shalt  }
0x42: {  	_ =	shalt  }
0x43: {  	_ =	shalt  }
0x44: {  	_ =	shalt  }
0x45: {  	_ =	shalt  }
0x46: {  	_ =	shalt  }
0x47: {  	_ =	shalt  }
0x48: {  	_ =	shalt  }
0x49: {  	_ =	shalt  }
0x4a: {  	_ =	shalt  }
0x4b: {  	_ =	shalt  }
0x4c: {  	_ =	shalt  }
0x4d: {  	_ =	shalt  }
0x4e: {  	_ =	shalt  }
0x4f: {  	_ =	shalt  }
0x50: {  	_ =	shalt  }
0x51: {  	_ =	shalt  }
0x52: {  	_ =	shalt  }
0x53: {  	_ =	shalt  }
0x54: {  	_ =	shalt  }
0x55: {  	_ =	shalt  }
0x56: {  	_ =	shalt  }
0x57: {  	_ =	shalt  }
0x58: {  	_ =	shalt  }
0x59: {  	_ =	shalt  }
0x5a: {  	_ =	shalt  }
0x5b: {  	_ =	shalt  }
0x5c: {  	_ =	shalt  }
0x5d: {  	_ =	shalt  }
0x5e: {  	_ =	shalt  }
0x5f: {  	_ =	shalt  }
0x60: {  	_ =	shalt  }
0x61: {  	_ =	shalt  }
0x62: {  	_ =	shalt  }
0x63: {  	_ =	shalt  }
0x64: {  	_ =	shalt  }
0x65: {  	_ =	shalt  }
0x66: {  	_ =	shalt  }
0x67: {  	_ =	shalt  }
0x68: {  	_ =	shalt  }
0x69: {  	_ =	shalt  }
0x6a: {  	_ =	shalt  }
0x6b: {  	_ =	shalt  }
0x6c: {  	_ =	shalt  }
0x6d: {  	_ =	shalt  }
0x6e: {  	_ =	shalt  }
0x6f: {  	_ =	shalt  }
0x70: {  	_ =	shalt  }
0x71: {  	_ =	shalt  }
0x72: {  	_ =	shalt  }
0x73: {  	_ =	shalt  }
0x74: {  	_ =	shalt  }
0x75: {  	_ =	shalt  }
0x76: {  	_ =	shalt  }
0x77: {  	_ =	shalt  }
0x78: {  	_ =	shalt  }
0x79: {  	_ =	shalt  }
0x7a: {  	_ =	shalt  }
0x7b: {  	_ =	shalt  }
0x7c: {  	_ =	shalt  }
0x7d: {  	_ =	shalt  }
0x7e: {  	_ =	shalt  }
0x7f: {  	_ =	shalt  }
0x80: {  	_ =	shalt  }
0x81: {  	_ =	shalt  }
0x82: {  	_ =	shalt  }
0x83: {  	_ =	shalt  }
0x84: {  	_ =	shalt  }
0x85: {  	_ =	shalt  }
0x86: {  	_ =	shalt  }
0x87: {  	_ =	shalt  }
.Lfunc_end0:
.L_simem_size_0:
called_computation_lowered:
.L_overlay_start_0:
0x88: {  	s2 =	sld [smem:$0x3FD9]  }
0x89: {  	s3 =	sld [smem:$0x3FFE];
	_ =	sdelay $0x1  }
0x8a: {  	s1 =	srdreg.scid  }
0x8b: {  	s0 =	sand.u32 $0x1, s1  }
0x8c: {  	s14 =	sshll.u32 s0, $0xA;
	s2 =	sadd.s32 s3, s2  }
0x8d: {  	s2 =	sadd.s32 s2, s14  }
0x8e: {  	[smem:$0x3FB9] =	sst s2  }
0x8f: {  	_ = 	snop  }
0x90: {  	s2 =	sld [smem:$0x3FD0];
	_ =	sdelay $0x2  }
0x91: {  	s15 =	simm.s32 $0xB;
	s4 =	simm.s32 $0x10  }
0x92: {  	[smem:s4], [sflag:s15] =	dma.local [hbm:s2], $0x1  }
0x93: {  	_ =	swait.eq [sflag:s15], $0x1  }
0x94: {  	[sflag:s15] =	ssyncset.done $0x0  }
0x95: {  	s16 =	sld [smem:$0x10];
	[sflag:s15] =	ssyncadd.s32 $0xFFFFFFFF  }
0x96: {  	s17 =	sld [smem:$0x12];
	(tm) =	ssettm $0x1  }
0x97: {  	s18 =	sld [smem:$0x3FFB];
	_ =	sdelay $0x3  }
0x98: {  	_ =	strace s18  }
0x99: {  	s4 =	sld [smem:$0x3FFC];
	_ =	sdelay $0x3  }
0x9a: {  	_ =	strace s4  }
0x9b: {  	s4 =	sld [smem:$0x3FFD];
	_ =	sdelay $0x3  }
0x9c: {  	_ =	strace s4  }
0x9d: {  	_ =	strace $0x8FFFFFFF  }
0x9e: {  	s19 =	sld [smem:$0x3FDB];
	_ =	sdelay $0x1  }
0x9f: {  	s5 =	simm.s32 $_scs_section_size  }
0xa0: {  	s6 =	simm.s32 $_size__tile_overlayer_lowered;
	s7 =	simm.s32 $_tile_overlayer_lowered  }
0xa1: {  	s22 =	simm.s32 $0x1BFF;
	s21 =	sshll.u32 s7, $0x1;
	s4 =	sadd.s32 s5, s19  }
0xa2: {  	s8 =	simm.s32 $0x0;
	s20 =	sshll.u32 s6, $0x1;
	s6 =	sadd.s32 s21, s4  }
0xa3: {  	[timem:s8], [sflag:s22] =	dma.local [hbm:s6], s20  }
0xa4: {  	_ =	swait.ge [sflag:s22], s20  }
0xa5: {  	s5 =	ssub.s32 $0x0, s20;
	[sflag:s22] =	ssyncset.done $0x0  }
0xa6: {  	[sflag:s22] =	ssyncadd.s32 s5;
	_ =	sdelay $0x1  }
0xa7: {  	s23 =	simm.s32 $0x1B8B  }
0xa8: {  	_ =	swait.ge [sflag:s23], $0x1  }
0xa9: {  	[sflag:s23] =	ssyncset.done $0x0  }
0xaa: {  	s25 =	simm.s32 $0x1B8E;
	s24 =	sld [smem:$0x3FFE];
	[sflag:s23] =	ssyncadd.s32 $0xFFFFFFFF  }
0xab: {  	s26 =	simm.s32 $execute0_lowered;
	[smem:$0x3FD2] =	sst s25  }
0xac: {  	s6 =	sshll.u32 s26, $0x1;
	_ =	strace $0x80000046;
	[dreg:$0x1] =	wrdreg $0xFFFFFFFF  }
0xad: {  	s28 =	simm.s32 $_size_execute0_lowered;
	s4 =	sadd.s32 s4, s6;
	[dreg:$0x0] =	wrdreg $0x0  }
0xae: {  	s6 =	sshll.u32 s28, $0x1;
	[dreg:$0x2] =	wrdreg s4  }
0xaf: {  	[dreg:$0x3] =	wrdreg s6  }
0xb0: {  	[dreg:$0x4] =	wrdreg $0xC0  }
0xb1: {  	_ =	task [dreg:s8], $0x5FFFF  }
0xb2: {  	[dreg:$0x1] =	wrdreg $0xFFFFFFFF  }
0xb3: {  	[dreg:$0x0] =	wrdreg $0x60  }
0xb4: {  	[dreg:$0x2] =	wrdreg s24  }
0xb5: {  	[dreg:$0x3] =	wrdreg s16  }
0xb6: {  	[dreg:$0x4] =	wrdreg s17  }
0xb7: {  	[dreg:$0x5] =	wrdreg $0x9  }
0xb8: {  	_ =	task.clear_ibuf [dreg:s8], $0x6FFFF;
	_ =	strace $0x90000046  }
0xb9: {  	s29 =	simm.s32 $0x9;
	_ =	strace $0x80000048  }
0xba: {  	_ =	swait.ge [sflag:s29], $0x1  }
0xbb: {  	[sflag:s29] =	ssyncadd.s32 $0xFFFFFFFF  }
0xbc: {  	_ =	strace $0x90000048  }
0xbd: {  	_ =	sfence  }
0xbe: {  	s30 =	sld [smem:$0x0];
	_ =	sdelay $0x2  }
0xbf: {  	s31 =	sshll.u32 s1, $0xD;
	s1 =	sshrl.u32 s1, $0x2  }
0xc0: {  	s3 =	sand.u32 $0x4000, s31;
	s1 =	sadd.s32 s1, s30  }
0xc1: {  	s0 =	sor.u32 s3, s0;
	s1 =	sshll.u32 s1, $0x11  }
0xc2: {  	s0 =	sor.u32 s1, s0  }
0xc3: {  	s0 =	sadd.s32 $0x8F2B, s0  }
0xc4: {  	[sflag:s0] =	ssyncadd.remote.s32 $0x1  }
0xc5: {  	_ =	sfence.sel $0xFFFF  }
0xc6: {  	[dreg:$0x0] =	wrdreg $0xFFFFFFFF;
	(pc) =	sbr.abs _section_cstart, $3  }
0xc7: {  	[dreg:$0x1] =	wrdreg $0xFFFFFFFF  }
0xc8: {  	_ =	task.clear_ibuf [dreg:s8], $0x2FFFF;
	_ =	strace $0x9FFFFFFF  }
0xc9: {  	(tm) =	ssettm $0x7FFFFFFF  }
tec
execute0_lowered:
.L_overlay_start_1:
0x0: {  	(tag) =	ssettag $0x1  }
0x1: {  	s0 =	srdreg.scid;
	s1 =	rddreg [dreg:$0x0]  }
0x2: {  	s10 =	stileid.u32;
	s2 =	rddreg [dreg:$0x1]  }
0x3: {  	s4 =	simm.s32 $0x0;
	s16 =	simm.s32 $0x50;
	s17 =	simm.s32 $0x4F00  }
0x4: {  	s18 =	simm.s32 $0xC700;
	s19 =	simm.s32 $0x7700;
	s28 =	simm.s32 $0x4  }
0x5: {  	s29 =	simm.s32 $0x2;
	s30 =	simm.s32 $0x5;
	s31 =	simm.s32 $0x3  }
0x6: {  	s0 =	sand.u32 $0x1, s0;
	s3 =	sshll.u32 s10, $0x1;
	[smem:$0x7FF] =	sst s4  }
0x7: {  	s8 =	sadd.s32 $0x18E00, s1;
	s23 =	smul.u32 $0x4E200, s10;
	s5 =	sor.u32 s0, s3  }
0x8: {  	s3 =	rddreg [dreg:$0x2];
	s7 =	ssub.s32 $0x2, s0;
	s0 =	smul.u32 $0x27100, s0  }
0x9: {  	_ =	strace $0x80000047;
	s6 =	smul.u32 $0x2710, s5;
	s9 =	sshrl.u32 s7, $0x1  }
0xa: {  	s5 =	smul.u32 $0x138800, s5;
	s26 =	sadd.s32 s23, s8;
	s7 =	ssub.s32 s7, s9  }
0xb: {  	s12 =	sadd.s32 s0, s26;
	s26 =	simm.s32 $0x1;
	s6 =	sshrl.u32 s6, $0x3  }
0xc: {  	s5 =	sshrl.u32 s5, $0x3;
	s25 =	smax.u32 s7, $0x1;
	s7 =	simm.s32 $0x0  }
0xd: {  	s6 =	sadd.s32 s6, s1;
	s1 =	sadd.s32 $0x4FAE00, s1;
	s20 =	sadd.s32 $0x26700, s5  }
0xe: {  	s5 =	sadd.s32 $0x26C00, s5;
	[dreg:$0xa] =	wrdreg s25;
	s11 =	sadd.s32 $0xF000, s6  }
0xf: {  	s25 =	simm.s32 $0x11700;
	s6 =	sadd.s32 $0x5200, s6;
	[dreg:$0x4] =	wrdreg s11  }
0x10: {  	s21 =	sadd.s32 s8, s20;
	s22 =	sadd.s32 s1, s20;
	[dreg:$0x5] =	wrdreg s6  }
0x11: {  	s24 =	sadd.s32 s8, s5;
	s5 =	sadd.s32 s1, s5;
	[dreg:$0x6] =	wrdreg s21  }
.Ltmp0:
0x12: {  	s1 =	sadd.s32 s23, s1;
	[dreg:$0x7] =	wrdreg s22;
	(pc) =	sbr.rel .LBB2_1-.Ltmp0, $4  }
0x13: {  	s23 =	simm.s32 $0x9F00;
	s20 =	simm.s32 $0xA;
	[dreg:$0x8] =	wrdreg s24  }
0x14: {  	[dreg:$0x9] =	wrdreg s5;
	s13 =	sadd.s32 s0, s1;
	s21 =	simm.s32 $0xEF00  }
0x15: {  	s1 =	simm.s32 $0x6;
	s0 =	simm.s32 $0x7;
	s22 =	simm.s32 $0x8  }
0x16: {  	s24 =	simm.s32 $0xB;
	s5 =	simm.s32 $0x9;
	s6 =	simm.s32 $0xC  }
.LBB2_4:
0x17: {  	_ =	swait.ge [sflag:s26], $0x2800  }
0x18: {  	[sflag:s26] =	ssyncset.done $0x0  }
0x19: {  	[sflag:s26] =	ssyncadd.s32 $0xFFFFD800  }
0x1a: {  	_ =	swait.ge [sflag:s28], $0x2800  }
0x1b: {  	[sflag:s28] =	ssyncset.done $0x0  }
0x1c: {  	s8 =	rddreg [dreg:$0x6];
	[sflag:s28] =	ssyncadd.s32 $0xFFFFD800  }
0x1d: {  	[hbm4b:s8+s4] =	stream.linear.scatter [tilespmem:s17], [sflag:$0x7], $0x2800, $0x38;
	[tilespmem:$0x13F00] =	vst v63  }
0x1e: {  	s10 =	rddreg [dreg:$0x7]  }
0x1f: {  	[hbm4b:s10+s4] =	stream.linear.scatter [tilespmem:s18], [sflag:$0xA], $0x2800, $0x38;
	[tilespmem:$0x13F00] =	vst v63  }
0x20: {  	_ =	swait.ge [sflag:s29], $0x2800  }
0x21: {  	[sflag:s29] =	ssyncset.done $0x0  }
0x22: {  	[sflag:s29] =	ssyncadd.s32 $0xFFFFD800  }
0x23: {  	_ =	swait.ge [sflag:s30], $0x2800  }
0x24: {  	[sflag:s30] =	ssyncset.done $0x0  }
0x25: {  	s11 =	rddreg [dreg:$0x8];
	[sflag:s30] =	ssyncadd.s32 $0xFFFFD800  }
0x26: {  	[hbm4b:s11+s4] =	stream.linear.scatter [tilespmem:s19], [sflag:$0x8], $0x2800, $0x38;
	[tilespmem:$0x13F00] =	vst v63  }
0x27: {  	s14 =	rddreg [dreg:$0x9]  }
0x28: {  	[hbm4b:s14+s4] =	stream.linear.scatter [tilespmem:s21], [sflag:$0xB], $0x2800, $0x38;
	[tilespmem:$0x13F00] =	vst v63  }
0x29: {  	_ =	swait.ge [sflag:s0], $0x2800  }
0x2a: {  	[sflag:s0] =	ssyncset.done $0x0  }
0x2b: {  	[sflag:s0] =	ssyncadd.s32 $0xFFFFD800  }
0x2c: {  	_ =	swait.ge [sflag:s20], $0x2800  }
0x2d: {  	[sflag:s20] =	ssyncset.done $0x0  }
0x2e: {  	[sflag:s20] =	ssyncadd.s32 $0xFFFFD800  }
0x2f: {  	_ =	swait.ge [sflag:s22], $0x2800  }
0x30: {  	[sflag:s22] =	ssyncset.done $0x0  }
0x31: {  	[sflag:s22] =	ssyncadd.s32 $0xFFFFD800  }
0x32: {  	_ =	swait.ge [sflag:s24], $0x2800  }
0x33: {  	[sflag:s24] =	ssyncset.done $0x0  }
0x34: {  	[sflag:s24] =	ssyncadd.s32 $0xFFFFD800  }
0x35: {  	_ =	swait.ge [sflag:s5], $0x2800  }
0x36: {  	[sflag:s5] =	ssyncset.done $0x0  }
0x37: {  	[sflag:s5] =	ssyncadd.s32 $0xFFFFD800  }
0x38: {  	_ =	swait.ge [sflag:s6], $0x2800  }
0x39: {  	s7 =	sadd.s32 $0x1, s7;
	s15 =	rddreg [dreg:$0xa]  }
0x3a: {  	p0 =	sne.s32 s7, s15  }
.Ltmp1:
0x3b: {  	_ = 	snop;
	(pc) =	sbr.rel @!p0 .LBB2_5-.Ltmp1, $3  }
0x3c: {  	_ =	sdelay $0x1  }
0x3d: {  	[sflag:s6] =	ssyncset.done $0x0  }
0x3e: {  	[sflag:s6] =	ssyncadd.s32 $0xFFFFD800  }
.LBB2_1:
0x3f: {  	s8 =	rddreg [dreg:$0x4];
	s9 =	simm.s32 $0xD  }
0x40: {  	[tilespmem:s4], [sflag:$0xD] =	stream.linear.gather [hbm4b:s8+s4], $0x2710, $0x38;
	[tilespmem:$0x13F00] =	vst v63  }
0x41: {  	_ =	swait.ge [sflag:s9], $0x2710  }
0x42: {  	[sflag:s9] =	ssyncset.done $0x0  }
0x43: {  	s10 =	simm.s32 $0x2780;
	s15 =	rddreg [dreg:$0x5];
	[sflag:s9] =	ssyncadd.s32 $0xFFFFD8F0  }
0x44: {  	[tilespmem:s10], [sflag:$0xD] =	stream.linear.gather [hbm4b:s15+s4], $0x2710, $0x38;
	[tilespmem:$0x13F00] =	vst v63  }
0x45: {  	_ =	swait.ge [sflag:s9], $0x2710  }
0x46: {  	[sflag:s9] =	ssyncset.done $0x0  }
0x47: {  	[sflag:s9] =	ssyncadd.s32 $0xFFFFD8F0  }
0x48: {  	[tilespmem:s17], [sflag:$0x1] =	stream.indirect.gather [hbm4b:s2+s16], $0x80, s4, s16, $0xb8;
	[tilespmem:$0x13F00] =	vst v63  }
0x49: {  	_ = 	snop  }
0x4a: {  	[tilespmem:s18], [sflag:$0x4] =	stream.indirect.gather [hbm4b:s3+s16], $0x80, s10, s16, $0xb8;
	[tilespmem:$0x13F00] =	vst v63  }
0x4b: {  	_ = 	snop  }
0x4c: {  	[tilespmem:s19], [sflag:$0x2] =	stream.indirect.gather [hbm4b:s2+s16], $0x80, s16, s16, $0xb8;
	[tilespmem:$0x13F00] =	vst v63  }
0x4d: {  	s11 =	simm.s32 $0x27D0  }
0x4e: {  	[tilespmem:s21], [sflag:$0x5] =	stream.indirect.gather [hbm4b:s3+s16], $0x80, s11, s16, $0xb8;
	[tilespmem:$0x13F00] =	vst v63  }
0x4f: {  	s14 =	simm.s32 $0xA0;
	s8 =	simm.s32 $0x190  }
0x50: {  	[tilespmem:s23], [sflag:$0x3] =	stream.indirect.gather [hbm4b:s2+s16], $0x80, s14, s16, $0xb8;
	[tilespmem:$0x13F00] =	vst v63  }
0x51: {  	s15 =	simm.s32 $0x2820;
	s9 =	simm.s32 $0x2910;
	s10 =	simm.s32 $0x0  }
0x52: {  	[tilespmem:s25], [sflag:$0x6] =	stream.indirect.gather [hbm4b:s3+s16], $0x80, s15, s16, $0xb8;
	[tilespmem:$0x13F00] =	vst v63  }
.LBB2_2:
0x53: {  	_ =	swait.ge [sflag:s26], $0x2800  }
0x54: {  	[sflag:s26] =	ssyncset.done $0x0  }
0x55: {  	[sflag:s26] =	ssyncadd.s32 $0xFFFFD800  }
0x56: {  	_ =	swait.ge [sflag:s28], $0x2800  }
0x57: {  	[sflag:s28] =	ssyncset.done $0x0  }
0x58: {  	s11 =	sadd.s32 s10, s12;
	[sflag:s28] =	ssyncadd.s32 $0xFFFFD800  }
0x59: {  	[hbm4b:s11+s4] =	stream.linear.scatter [tilespmem:s17], [sflag:$0x7], $0x2800, $0x38;
	[tilespmem:$0x13F00] =	vst v63  }
0x5a: {  	s15 =	sadd.s32 s10, s13  }
0x5b: {  	[hbm4b:s15+s4] =	stream.linear.scatter [tilespmem:s18], [sflag:$0xA], $0x2800, $0x38;
	[tilespmem:$0x13F00] =	vst v63  }
0x5c: {  	_ =	swait.ge [sflag:s29], $0x2800  }
0x5d: {  	[sflag:s29] =	ssyncset.done $0x0  }
0x5e: {  	[sflag:s29] =	ssyncadd.s32 $0xFFFFD800  }
0x5f: {  	_ =	swait.ge [sflag:s30], $0x2800  }
0x60: {  	[sflag:s30] =	ssyncset.done $0x0  }
0x61: {  	s14 =	sadd.s32 $0x500, s11;
	[sflag:s30] =	ssyncadd.s32 $0xFFFFD800  }
0x62: {  	[hbm4b:s14+s4] =	stream.linear.scatter [tilespmem:s19], [sflag:$0x8], $0x2800, $0x38;
	[tilespmem:$0x13F00] =	vst v63  }
0x63: {  	s14 =	sadd.s32 $0x500, s15  }
0x64: {  	[hbm4b:s14+s4] =	stream.linear.scatter [tilespmem:s21], [sflag:$0xB], $0x2800, $0x38;
	[tilespmem:$0x13F00] =	vst v63  }
0x65: {  	_ =	swait.ge [sflag:s31], $0x2800  }
0x66: {  	[sflag:s31] =	ssyncset.done $0x0  }
0x67: {  	[sflag:s31] =	ssyncadd.s32 $0xFFFFD800  }
0x68: {  	_ =	swait.ge [sflag:s1], $0x2800  }
0x69: {  	[sflag:s1] =	ssyncset.done $0x0  }
0x6a: {  	s11 =	sadd.s32 $0xA00, s11;
	[sflag:s1] =	ssyncadd.s32 $0xFFFFD800  }
0x6b: {  	[hbm4b:s11+s4] =	stream.linear.scatter [tilespmem:s23], [sflag:$0x9], $0x2800, $0x38;
	[tilespmem:$0x13F00] =	vst v63  }
0x6c: {  	s15 =	sadd.s32 $0xA00, s15  }
0x6d: {  	[hbm4b:s15+s4] =	stream.linear.scatter [tilespmem:s25], [sflag:$0xC], $0x2800, $0x38;
	[tilespmem:$0x13F00] =	vst v63  }
0x6e: {  	_ =	swait.ge [sflag:s0], $0x2800  }
0x6f: {  	[sflag:s0] =	ssyncset.done $0x0  }
0x70: {  	[sflag:s0] =	ssyncadd.s32 $0xFFFFD800  }
0x71: {  	_ =	swait.ge [sflag:s20], $0x2800  }
0x72: {  	[sflag:s20] =	ssyncset.done $0x0  }
0x73: {  	s14 =	sadd.s32 $0xFFFFFF60, s8;
	[sflag:s20] =	ssyncadd.s32 $0xFFFFD800  }
0x74: {  	[tilespmem:s17], [sflag:$0x1] =	stream.indirect.gather [hbm4b:s2+s16], $0x80, s14, s16, $0xb8;
	[tilespmem:$0x13F00] =	vst v63  }
0x75: {  	s15 =	sadd.s32 $0xFFFFFF60, s9  }
0x76: {  	[tilespmem:s18], [sflag:$0x4] =	stream.indirect.gather [hbm4b:s3+s16], $0x80, s15, s16, $0xb8;
	[tilespmem:$0x13F00] =	vst v63  }
0x77: {  	_ =	swait.ge [sflag:s22], $0x2800  }
0x78: {  	[sflag:s22] =	ssyncset.done $0x0  }
0x79: {  	[sflag:s22] =	ssyncadd.s32 $0xFFFFD800  }
0x7a: {  	p0 =	seq.s32 s10, $0x25800;
	_ =	swait.ge [sflag:s24], $0x2800  }
.Ltmp2:
0x7b: {  	[sflag:s24] =	ssyncset.done $0x0;
	(pc) =	sbr.rel @p0 .LBB2_4-.Ltmp2, $4  }
0x7c: {  	s14 =	sadd.s32 $0xFFFFFFB0, s8;
	[sflag:s24] =	ssyncadd.s32 $0xFFFFD800  }
0x7d: {  	[tilespmem:s19], [sflag:$0x2] =	stream.indirect.gather [hbm4b:s2+s16], $0x80, s14, s16, $0xb8;
	[tilespmem:$0x13F00] =	vst v63  }
0x7e: {  	s15 =	sadd.s32 $0xFFFFFFB0, s9  }
0x7f: {  	[tilespmem:s21], [sflag:$0x5] =	stream.indirect.gather [hbm4b:s3+s16], $0x80, s15, s16, $0xb8;
	[tilespmem:$0x13F00] =	vst v63  }
0x80: {  	_ =	swait.ge [sflag:s5], $0x2800  }
0x81: {  	[sflag:s5] =	ssyncset.done $0x0  }
0x82: {  	[sflag:s5] =	ssyncadd.s32 $0xFFFFD800  }
0x83: {  	_ =	swait.ge [sflag:s6], $0x2800  }
0x84: {  	[sflag:s6] =	ssyncset.done $0x0  }
.Ltmp3:
0x85: {  	[sflag:s6] =	ssyncadd.s32 $0xFFFFD800;
	(pc) =	sbr.rel .LBB2_2-.Ltmp3, $4  }
0x86: {  	[tilespmem:s23], [sflag:$0x3] =	stream.indirect.gather [hbm4b:s2+s16], $0x80, s8, s16, $0xb8;
	[tilespmem:$0x13F00] =	vst v63  }
0x87: {  	_ = 	snop  }
0x88: {  	[tilespmem:s25], [sflag:$0x6] =	stream.indirect.gather [hbm4b:s3+s16], $0x80, s9, s16, $0xb8;
	[tilespmem:$0x13F00] =	vst v63  }
0x89: {  	s10 =	sadd.s32 $0xF00, s10;
	s8 =	sadd.s32 $0xF0, s8;
	s9 =	sadd.s32 $0xF0, s9  }
.LBB2_5:
0x8a: {  	_ =	sfence.sel $0x180000  }
0x8b: {  	[bflag:$0x0] =	sbarrier.arrive $0xFFFF  }
0x8c: {  	_ =	strace $0x90000047  }
0x8d: {  	s0 =	stileid.u32;
	[bflag:$0x2] =	sbarrier.arrive $0xFFFF  }
0x8e: {  	p0 =	sne.s32 s0, $0x0;
	s0 =	rddreg [dreg:$0x3]  }
0x8f: {  	s0 =	sadd.s32 @!p0 $0x100000, s0  }
0x90: {  	[sflag:s0] =	ssyncadd.tile.s32 @!p0 $0x1;
	_ =	shalt  }
.Lfunc_end2:
_tile_overlayer_lowered:
.L_overlay_start_2:
0x91: {  	(tag) =	ssettag $0x2  }
0x92: {  	s0 =	rddreg [dreg:$0x0];
	s2 =	stileid.u32  }
0x93: {  	s1 =	rddreg [dreg:$0x1];
	p0 =	sne.s32 s2, $0x0  }
0x94: {  	s3 =	rddreg [dreg:$0x2];
	[bflag:$0x3] =	sbarrier.arrive $0xFFFF;
	s2 =	simm.s32 @!p0 $0x1C0D  }
0x95: {  	[timem:s3], [sflag:s2] =	dma.local @!p0 [hbm:s0], s1  }
0x96: {  	s0 =	simm.s32 @!p0 $0xD  }
0x97: {  	_ =	swait.ge @!p0 [sflag:s0], s1  }
0x98: {  	s1 =	ssub.s32 @!p0 $0x0, s1;
	[sflag:s0] =	ssyncset.done @!p0 $0x0  }
0x99: {  	[sflag:s0] =	ssyncadd.s32 @!p0 s1  }
0x9a: {  	[bflag:$0x3] =	sbarrier.arrive $0xFFFF  }
0x9b: {  	_ =	shalt  }

</sc_bundles>
